<compile_context>
chip_gen: v7x
topology: tpu7x:2x2x1
jax: 0.10.2.dev20260603
libtpu: 0.0.44.dev20260713+nightly
codegen_flags: <defaults>
</compile_context>

<pallas_src>
import jax
import jax.numpy as jnp
from jax import lax
from jax.experimental import pallas as pl
from jax.experimental.pallas import tpu as pltpu
from jax.experimental.pallas import tpu_sc as plsc

_SC_PARAMS = pltpu.CompilerParams(needs_layout_passes=False)

E = 8
T = 128
NC, NS, L = 2, 16, 16
NW = NC * NS


def _make_router_body(s):
    tp = s // NW

    def _router_body(x_ref, wr_ref, br_ref, eid_ref, cnts_ref):
        xv = x_ref[0]
        logits = jnp.dot(xv, wr_ref[...], preferred_element_type=jnp.float32)
        logits = logits + br_ref[...]
        maxv = jnp.max(logits, axis=-1, keepdims=True)
        li = lax.broadcasted_iota(jnp.int32, logits.shape, 1)
        cand = jnp.where(logits == maxv, li, jnp.int32(1 << 30))
        eid = jnp.min(cand, axis=-1)
        eid_ref[...] = eid
        onehot = (li == eid[:, None]).astype(jnp.float32)
        aw = lax.broadcasted_iota(jnp.int32, (NW, s), 0)
        at = lax.broadcasted_iota(jnp.int32, (NW, s), 1) // tp
        amat = (aw == at).astype(jnp.float32)
        cnts_f = jnp.dot(amat, onehot, preferred_element_type=jnp.float32)
        cnts_ref[...] = lax.slice(cnts_f, (0, 0), (NW, L)).astype(jnp.int32)

    return _router_body


def _make_dispatch_body(s, P, Upad):
    tp = s // NW
    nch = tp // L

    def _body(eid_hbm, x_hbm, cnts_hbm, pos_hbm, xs_hbm, te_hbm, vt_hbm,
              cnts_l, eid_l, pos_v, xrows_v, te_v, vt_v, sem):
        wid = lax.axis_index("s") * NC + lax.axis_index("c")
        pltpu.sync_copy(cnts_hbm, cnts_l)
        pltpu.sync_copy(eid_hbm.at[pl.ds(wid * tp, tp)], eid_l)

        tot = jnp.zeros((L,), jnp.int32)
        pre = jnp.zeros((L,), jnp.int32)
        for w in range(NW):
            row = cnts_l[w]
            tot = tot + row
            before = jnp.full((L,), w, jnp.int32) < wid
            pre = jnp.where(before, pre + row, pre)

        tiles_vec = (tot + (T - 1)) // T
        cumt = plsc.cumsum(tiles_vec)
        base_vec = (cumt - tiles_vec) * T
        start = base_vec + pre

        offs = [start[e] for e in range(E)]

        for c in range(nch):
            v = eid_l[pl.ds(c * L, L)]
            posv = jnp.zeros((L,), jnp.int32)
            for e in range(E):
                m = v == e
                mi = m.astype(jnp.int32)
                csum = plsc.cumsum(mi)
                posv = jnp.where(m, offs[e] + csum - 1, posv)
                offs[e] = offs[e] + csum[L - 1]
            pos_v[pl.ds(c * L, L)] = posv

        pltpu.sync_copy(pos_v, pos_hbm.at[pl.ds(wid * tp, tp)])

        pltpu.sync_copy(x_hbm.at[0, pl.ds(wid * tp, tp)], xrows_v)
        pltpu.async_copy(xrows_v, xs_hbm.at[pos_v], sem).wait()

        @pl.when(wid == 0)
        def _():
            nt = cumt[E - 1]
            lane = lax.iota(jnp.int32, L)
            last_e = jnp.max(jnp.where(tiles_vec > 0, lane, 0))
            cum_s = [cumt[e] for e in range(E)]
            for c in range(Upad // L):
                u = lane + c * L
                acc = jnp.zeros((L,), jnp.int32)
                for e in range(E):
                    acc = acc + (u >= cum_s[e]).astype(jnp.int32)
                te_v[pl.ds(c * L, L)] = jnp.where(acc > E - 1, last_e, acc)
                vt_v[pl.ds(c * L, L)] = (u < nt).astype(jnp.int32)
            pltpu.sync_copy(te_v, te_hbm)
            pltpu.sync_copy(vt_v, vt_hbm)

    return _body


def _make_combine_body(s):
    rp = s // NW

    def _body(tab_hbm, idx_hbm, out_hbm, idx_v, rows_v, sem):
        wid = lax.axis_index("s") * NC + lax.axis_index("c")
        base = wid * rp
        pltpu.sync_copy(idx_hbm.at[pl.ds(base, rp)], idx_v)
        pltpu.async_copy(tab_hbm.at[idx_v], rows_v, sem).wait()
        pltpu.sync_copy(rows_v, out_hbm.at[0, pl.ds(base, rp)])

    return _body


def _ffn_body(te_ref, vt_ref, xs_ref, w1_ref, b1_ref, w2_ref, b2_ref, ys_ref):
    u = pl.program_id(0)

    @pl.when(vt_ref[u] == 1)
    def _():
        e = te_ref[u]
        xv = xs_ref[...]
        hpre = jnp.dot(xv, w1_ref[0], preferred_element_type=jnp.float32)
        hpre = hpre + b1_ref[pl.ds(e, 1), :]
        hv = 0.5 * hpre * (1.0 + lax.erf(hpre * 0.7071067811865476))
        yv = jnp.dot(hv, w2_ref[0], preferred_element_type=jnp.float32)
        ys_ref[...] = yv + b2_ref[pl.ds(e, 1), :]


def kernel(x, Wr, br, W1, b1, W2, b2):
    b, s, d = x.shape
    e_, _, h = W1.shape

    U = s // T + E
    Upad = ((U + L - 1) // L) * L
    P = U * T

    wr_p = jnp.pad(Wr, ((0, 0), (0, 128 - E)))
    br_p = jnp.concatenate([br, jnp.full((128 - E,), -1e30, jnp.float32)])[None, :]
    eid, cnts = pl.pallas_call(
        _make_router_body(s),
        out_shape=[jax.ShapeDtypeStruct((s,), jnp.int32),
                   jax.ShapeDtypeStruct((NW, L), jnp.int32)],
    )(x, wr_p, br_p)

    mesh = plsc.VectorSubcoreMesh(core_axis_name="c", subcore_axis_name="s")

    pos, xs, te, vt = pl.kernel(
        _make_dispatch_body(s, P, Upad),
        out_type=[jax.ShapeDtypeStruct((s,), jnp.int32),
                  jax.ShapeDtypeStruct((P, d), jnp.float32),
                  jax.ShapeDtypeStruct((Upad,), jnp.int32),
                  jax.ShapeDtypeStruct((Upad,), jnp.int32)],
        mesh=mesh,
        scratch_types=[pltpu.VMEM((NW, L), jnp.int32),
                       pltpu.VMEM((s // NW,), jnp.int32),
                       pltpu.VMEM((s // NW,), jnp.int32),
                       pltpu.VMEM((s // NW, d), jnp.float32),
                       pltpu.VMEM((Upad,), jnp.int32),
                       pltpu.VMEM((Upad,), jnp.int32),
                       pltpu.SemaphoreType.DMA],
        compiler_params=_SC_PARAMS,
    )(eid, x, cnts)

    grid_spec = pltpu.PrefetchScalarGridSpec(
        num_scalar_prefetch=2,
        grid=(U,),
        in_specs=[
            pl.BlockSpec((T, d), lambda u, te_r, vt_r: (u, 0)),
            pl.BlockSpec((1, d, h), lambda u, te_r, vt_r: (te_r[u], 0, 0)),
            pl.BlockSpec((E, h), lambda u, te_r, vt_r: (0, 0)),
            pl.BlockSpec((1, h, d), lambda u, te_r, vt_r: (te_r[u], 0, 0)),
            pl.BlockSpec((E, d), lambda u, te_r, vt_r: (0, 0)),
        ],
        out_specs=pl.BlockSpec((T, d), lambda u, te_r, vt_r: (u, 0)),
    )
    ys = pl.pallas_call(
        _ffn_body,
        grid_spec=grid_spec,
        out_shape=jax.ShapeDtypeStruct((P, d), jnp.float32),
    )(te, vt, xs, W1, b1, W2, b2)

    out = pl.kernel(
        _make_combine_body(s),
        out_type=jax.ShapeDtypeStruct((b, s, d), jnp.float32),
        mesh=mesh,
        scratch_types=[pltpu.VMEM((s // NW,), jnp.int32),
                       pltpu.VMEM((s // NW, d), jnp.float32),
                       pltpu.SemaphoreType.DMA],
        compiler_params=_SC_PARAMS,
    )(ys, pos)

    return out

# --- scband reference (transcript-rebuilt; emitter-appended) ---
"""Pipeline reference for scband-sparse-mo-e-72765335929164 (READ-ONLY COPY).

The authoritative reference and input builder live on the scoring server;
editing this copy changes nothing except your own understanding.
"""

import jax, jax.numpy as jnp
import numpy as np

E = 8
K = 1
B = 1
S = 2048
D = 768
H = 1536


def setup_inputs(seed: int = 0) -> dict:
    key = jax.random.key(seed)
    ks = jax.random.split(key, 8)
    x = jax.random.normal(ks[0], (B, S, D), dtype=jnp.float32)
    Wr = jax.random.normal(ks[1], (D, E), dtype=jnp.float32) * 0.02
    br = jnp.zeros((E,), dtype=jnp.float32)
    W1 = jax.random.normal(ks[2], (E, D, H), dtype=jnp.float32) * 0.02
    b1 = jnp.zeros((E, H), dtype=jnp.float32)
    W2 = jax.random.normal(ks[3], (E, H, D), dtype=jnp.float32) * 0.02
    b2 = jnp.zeros((E, D), dtype=jnp.float32)
    return {"x": x, "Wr": Wr, "br": br, "W1": W1, "b1": b1, "W2": W2, "b2": b2}


def reference(x, Wr, br, W1, b1, W2, b2):
    b, s, d = x.shape
    x_flat = x.reshape(-1, d)
    # router (noisy_gating=False so no noise added)
    logits = x_flat @ Wr + br
    topk_vals, topk_idx = jax.lax.top_k(logits, K)
    gates = jax.nn.softmax(topk_vals, axis=-1)
    out = jnp.zeros_like(x_flat)
    for i in range(K):
        expert_idx = topk_idx[:, i]
        g = gates[:, i][:, None]
        for j in range(E):
            mask = (expert_idx == j).astype(x_flat.dtype)[:, None]
            h = jax.nn.gelu((x_flat * mask) @ W1[j] + b1[j], approximate=False)
            y = h @ W2[j] + b2[j]
            out = out + g * y
    return out.reshape(b, s, d)

if __name__ == "__main__":
    import jax
    _d = setup_inputs()
    print(jax.jit(kernel)(*tuple(_d.values())))

</pallas_src>

<mosaic_0001>
#map = affine_map<(d0, d1) -> (0, 0)>
#map1 = affine_map<(d0, d1) -> (0)>
#map2 = affine_map<(d0, d1) -> (0, 0, 0)>
module attributes {stable_mosaic.version = 14 : i64} {
  func.func @_body(%arg0: i32, %arg1: i32, %arg2: memref<3072x768xf32, #tpu.memory_space<hbm>>, %arg3: memref<2048xi32, #tpu.memory_space<hbm>>, %arg4: memref<1x2048x768xf32, #tpu.memory_space<hbm>>, %arg5: memref<64xi32, #tpu.memory_space<vmem>>, %arg6: memref<64x768xf32, #tpu.memory_space<vmem>>, %arg7: memref<!tpu.dma_semaphore, #tpu.memory_space<semaphore_mem>>) attributes {dimension_semantics = [#tpu.dimension_semantics<core_parallel>, #tpu.dimension_semantics<subcore_parallel>], iteration_bounds = array<i64: 2, 16>, scalar_prefetch = 0 : i64, scratch_operands = 3 : i64, tpu.core_type = #tpu.core_type<sc_vector_subcore>, window_params = [{transform_indices = #map}, {transform_indices = #map1}, {transform_indices = #map2}]} {
    %mul3A = arith.constant 2 : i32
    %mul3A_0 = arith.muli %arg1, %mul3A : i32
    %add3A = arith.addi %mul3A_0, %arg0 : i32
    %mul3A_1 = arith.constant 64 : i32
    %mul3A_2 = arith.muli %add3A, %mul3A_1 : i32
    "tpu.region"() ({
      %run_scoped3A_7 = tpu.sem_alloc : memref<!tpu.dma_semaphore, #tpu.memory_space<semaphore_mem>>
      %dma_start3A_8 = tpu.memref_slice %arg3[%mul3A_2] : memref<2048xi32, #tpu.memory_space<hbm>> -> memref<64xi32, #tpu.memory_space<hbm>>
      %dma_start3A_9 = tpu.memref_slice %arg3[%mul3A_2] : memref<2048xi32, #tpu.memory_space<hbm>> -> memref<64xi32, #tpu.memory_space<hbm>>
      tpu.enqueue_dma source(%dma_start3A_9 : memref<64xi32, #tpu.memory_space<hbm>>) target(%arg5 : memref<64xi32, #tpu.memory_space<vmem>>) target_semaphore(%run_scoped3A_7 : memref<!tpu.dma_semaphore, #tpu.memory_space<semaphore_mem>>)
      %dma_wait3A_10 = tpu.memref_slice %arg3[%mul3A_2] : memref<2048xi32, #tpu.memory_space<hbm>> -> memref<64xi32, #tpu.memory_space<hbm>>
      %dma_wait3A_11 = tpu.memref_slice %arg3[%mul3A_2] : memref<2048xi32, #tpu.memory_space<hbm>> -> memref<64xi32, #tpu.memory_space<hbm>>
      tpu.wait_dma2 semaphore(%run_scoped3A_7 : memref<!tpu.dma_semaphore, #tpu.memory_space<semaphore_mem>>) src(%dma_wait3A_11 : memref<64xi32, #tpu.memory_space<hbm>>) dst(%arg5 : memref<64xi32, #tpu.memory_space<vmem>>)
      tpu.yield
    }) : () -> ()
    %dma_start3A = arith.constant 0 : i32
    %dma_start3A_3 = arith.constant 0 : i32
    %dma_start3A_4 = tpu.memref_slice %arg2[%dma_start3A, %dma_start3A_3] : memref<3072x768xf32, #tpu.memory_space<hbm>> -> memref<3072x768xf32, #tpu.memory_space<hbm>>
    tpu.enqueue_indirect_dma source(%dma_start3A_4 : memref<3072x768xf32, #tpu.memory_space<hbm>>) target(%arg6 : memref<64x768xf32, #tpu.memory_space<vmem>>) offsets(%arg5 : memref<64xi32, #tpu.memory_space<vmem>>) semaphore(%arg7 : memref<!tpu.dma_semaphore, #tpu.memory_space<semaphore_mem>>)
    %dma_wait3A = arith.constant 0 : i32
    %dma_wait3A_5 = arith.constant 0 : i32
    %dma_wait3A_6 = tpu.memref_slice %arg2[%dma_wait3A, %dma_wait3A_5] : memref<3072x768xf32, #tpu.memory_space<hbm>> -> memref<3072x768xf32, #tpu.memory_space<hbm>>
    tpu.wait_indirect_dma semaphore(%arg7 : memref<!tpu.dma_semaphore, #tpu.memory_space<semaphore_mem>>) src(%dma_wait3A_6 : memref<3072x768xf32, #tpu.memory_space<hbm>>) dst(%arg6 : memref<64x768xf32, #tpu.memory_space<vmem>>)
    %run_scoped3A = arith.constant 0 : i32
    "tpu.region"() ({
      %run_scoped3A_7 = tpu.sem_alloc : memref<!tpu.dma_semaphore, #tpu.memory_space<semaphore_mem>>
      %dma_start3A_8 = arith.constant 0 : i32
      %dma_start3A_9 = tpu.memref_slice %arg4[%run_scoped3A, %mul3A_2, %dma_start3A_8] : memref<1x2048x768xf32, #tpu.memory_space<hbm>> -> memref<1x64x768xf32, #tpu.memory_space<hbm>>
      %dma_start3A_10 = tpu.memref_squeeze %dma_start3A_9 : memref<1x64x768xf32, #tpu.memory_space<hbm>> -> memref<64x768xf32, #tpu.memory_space<hbm>>
      %dma_start3A_11 = arith.constant 0 : i32
      %dma_start3A_12 = tpu.memref_slice %arg4[%run_scoped3A, %mul3A_2, %dma_start3A_11] : memref<1x2048x768xf32, #tpu.memory_space<hbm>> -> memref<1x64x768xf32, #tpu.memory_space<hbm>>
      %dma_start3A_13 = tpu.memref_squeeze %dma_start3A_12 : memref<1x64x768xf32, #tpu.memory_space<hbm>> -> memref<64x768xf32, #tpu.memory_space<hbm>>
      tpu.enqueue_dma source(%arg6 : memref<64x768xf32, #tpu.memory_space<vmem>>) target(%dma_start3A_13 : memref<64x768xf32, #tpu.memory_space<hbm>>) target_semaphore(%run_scoped3A_7 : memref<!tpu.dma_semaphore, #tpu.memory_space<semaphore_mem>>)
      %dma_wait3A_14 = arith.constant 0 : i32
      %dma_wait3A_15 = tpu.memref_slice %arg4[%run_scoped3A, %mul3A_2, %dma_wait3A_14] : memref<1x2048x768xf32, #tpu.memory_space<hbm>> -> memref<1x64x768xf32, #tpu.memory_space<hbm>>
      %dma_wait3A_16 = tpu.memref_squeeze %dma_wait3A_15 : memref<1x64x768xf32, #tpu.memory_space<hbm>> -> memref<64x768xf32, #tpu.memory_space<hbm>>
      %dma_wait3A_17 = arith.constant 0 : i32
      %dma_wait3A_18 = tpu.memref_slice %arg4[%run_scoped3A, %mul3A_2, %dma_wait3A_17] : memref<1x2048x768xf32, #tpu.memory_space<hbm>> -> memref<1x64x768xf32, #tpu.memory_space<hbm>>
      %dma_wait3A_19 = tpu.memref_squeeze %dma_wait3A_18 : memref<1x64x768xf32, #tpu.memory_space<hbm>> -> memref<64x768xf32, #tpu.memory_space<hbm>>
      tpu.wait_dma2 semaphore(%run_scoped3A_7 : memref<!tpu.dma_semaphore, #tpu.memory_space<semaphore_mem>>) src(%arg6 : memref<64x768xf32, #tpu.memory_space<vmem>>) dst(%dma_wait3A_19 : memref<64x768xf32, #tpu.memory_space<hbm>>)
      tpu.yield
    }) : () -> ()
    return
  }
}

#map = affine_map<(d0, d1) -> (0)>
#map1 = affine_map<(d0, d1) -> (0, 0, 0)>
#map2 = affine_map<(d0, d1) -> (0, 0)>
module attributes {stable_mosaic.version = 14 : i64} {
  func.func @_body(%arg0: i32, %arg1: i32, %arg2: memref<2048xi32, #tpu.memory_space<hbm>>, %arg3: memref<1x2048x768xf32, #tpu.memory_space<hbm>>, %arg4: memref<32x16xi32, #tpu.memory_space<hbm>>, %arg5: memref<2048xi32, #tpu.memory_space<hbm>>, %arg6: memref<3072x768xf32, #tpu.memory_space<hbm>>, %arg7: memref<32xi32, #tpu.memory_space<hbm>>, %arg8: memref<32xi32, #tpu.memory_space<hbm>>, %arg9: memref<32x16xi32, #tpu.memory_space<vmem>>, %arg10: memref<64xi32, #tpu.memory_space<vmem>>, %arg11: memref<64xi32, #tpu.memory_space<vmem>>, %arg12: memref<64x768xf32, #tpu.memory_space<vmem>>, %arg13: memref<32xi32, #tpu.memory_space<vmem>>, %arg14: memref<32xi32, #tpu.memory_space<vmem>>, %arg15: memref<!tpu.dma_semaphore, #tpu.memory_space<semaphore_mem>>) attributes {dimension_semantics = [#tpu.dimension_semantics<core_parallel>, #tpu.dimension_semantics<subcore_parallel>], iteration_bounds = array<i64: 2, 16>, scalar_prefetch = 0 : i64, scratch_operands = 7 : i64, tpu.core_type = #tpu.core_type<sc_vector_subcore>, window_params = [{transform_indices = #map}, {transform_indices = #map1}, {transform_indices = #map2}, {transform_indices = #map}, {transform_indices = #map2}, {transform_indices = #map}, {transform_indices = #map}]} {
    %mul3A = arith.constant 2 : i32
    %mul3A_0 = arith.muli %arg1, %mul3A : i32
    %add3A = arith.addi %mul3A_0, %arg0 : i32
    "tpu.region"() ({
      %run_scoped3A_948 = tpu.sem_alloc : memref<!tpu.dma_semaphore, #tpu.memory_space<semaphore_mem>>
      tpu.enqueue_dma source(%arg4 : memref<32x16xi32, #tpu.memory_space<hbm>>) target(%arg9 : memref<32x16xi32, #tpu.memory_space<vmem>>) target_semaphore(%run_scoped3A_948 : memref<!tpu.dma_semaphore, #tpu.memory_space<semaphore_mem>>)
      tpu.wait_dma2 semaphore(%run_scoped3A_948 : memref<!tpu.dma_semaphore, #tpu.memory_space<semaphore_mem>>) src(%arg4 : memref<32x16xi32, #tpu.memory_space<hbm>>) dst(%arg9 : memref<32x16xi32, #tpu.memory_space<vmem>>)
      tpu.yield
    }) : () -> ()
    %mul3A_1 = arith.constant 64 : i32
    %mul3A_2 = arith.muli %add3A, %mul3A_1 : i32
    "tpu.region"() ({
      %run_scoped3A_948 = tpu.sem_alloc : memref<!tpu.dma_semaphore, #tpu.memory_space<semaphore_mem>>
      %dma_start3A_949 = tpu.memref_slice %arg2[%mul3A_2] : memref<2048xi32, #tpu.memory_space<hbm>> -> memref<64xi32, #tpu.memory_space<hbm>>
      %dma_start3A_950 = tpu.memref_slice %arg2[%mul3A_2] : memref<2048xi32, #tpu.memory_space<hbm>> -> memref<64xi32, #tpu.memory_space<hbm>>
      tpu.enqueue_dma source(%dma_start3A_950 : memref<64xi32, #tpu.memory_space<hbm>>) target(%arg10 : memref<64xi32, #tpu.memory_space<vmem>>) target_semaphore(%run_scoped3A_948 : memref<!tpu.dma_semaphore, #tpu.memory_space<semaphore_mem>>)
      %dma_wait3A_951 = tpu.memref_slice %arg2[%mul3A_2] : memref<2048xi32, #tpu.memory_space<hbm>> -> memref<64xi32, #tpu.memory_space<hbm>>
      %dma_wait3A_952 = tpu.memref_slice %arg2[%mul3A_2] : memref<2048xi32, #tpu.memory_space<hbm>> -> memref<64xi32, #tpu.memory_space<hbm>>
      tpu.wait_dma2 semaphore(%run_scoped3A_948 : memref<!tpu.dma_semaphore, #tpu.memory_space<semaphore_mem>>) src(%dma_wait3A_952 : memref<64xi32, #tpu.memory_space<hbm>>) dst(%arg10 : memref<64xi32, #tpu.memory_space<vmem>>)
      tpu.yield
    }) : () -> ()
    %broadcast_in_dim3A = arith.constant 0 : i32
    %broadcast_in_dim3A_3 = vector.broadcast %broadcast_in_dim3A : i32 to vector<16xi32>
    %broadcast_in_dim3A_4 = arith.constant 0 : i32
    %broadcast_in_dim3A_5 = vector.broadcast %broadcast_in_dim3A_4 : i32 to vector<16xi32>
    %get3A = arith.constant 0 : i32
    %get3A_6 = arith.index_cast %get3A : i32 to index
    %get3A_7 = arith.constant 0 : index
    %get3A_8 = tpu.vector_load %arg9[%get3A_6, %get3A_7] {strides = array<i32>} : memref<32x16xi32, #tpu.memory_space<vmem>>, vector<16xi32>,
    %add3A_9 = arith.addi %broadcast_in_dim3A_3, %get3A_8 : vector<16xi32>
    %broadcast_in_dim3A_10 = arith.constant 0 : i32
    %broadcast_in_dim3A_11 = vector.broadcast %broadcast_in_dim3A_10 : i32 to vector<16xi32>
    %lt3A = vector.broadcast %add3A : i32 to vector<16xi32>
    %lt3A_12 = arith.cmpi slt, %broadcast_in_dim3A_11, %lt3A : vector<16xi32>
    %add3A_13 = arith.addi %broadcast_in_dim3A_5, %get3A_8 : vector<16xi32>
    %select_n3A = arith.select %lt3A_12, %add3A_13, %broadcast_in_dim3A_5 : vector<16xi1>, vector<16xi32>
    %get3A_14 = arith.constant 1 : i32
    %get3A_15 = arith.index_cast %get3A_14 : i32 to index
    %get3A_16 = arith.constant 0 : index
    %get3A_17 = tpu.vector_load %arg9[%get3A_15, %get3A_16] {strides = array<i32>} : memref<32x16xi32, #tpu.memory_space<vmem>>, vector<16xi32>,
    %add3A_18 = arith.addi %add3A_9, %get3A_17 : vector<16xi32>
    %broadcast_in_dim3A_19 = arith.constant 1 : i32
    %broadcast_in_dim3A_20 = vector.broadcast %broadcast_in_dim3A_19 : i32 to vector<16xi32>
    %lt3A_21 = vector.broadcast %add3A : i32 to vector<16xi32>
    %lt3A_22 = arith.cmpi slt, %broadcast_in_dim3A_20, %lt3A_21 : vector<16xi32>
    %add3A_23 = arith.addi %select_n3A, %get3A_17 : vector<16xi32>
    %select_n3A_24 = arith.select %lt3A_22, %add3A_23, %select_n3A : vector<16xi1>, vector<16xi32>
    %get3A_25 = arith.constant 2 : i32
    %get3A_26 = arith.index_cast %get3A_25 : i32 to index
    %get3A_27 = arith.constant 0 : index
    %get3A_28 = tpu.vector_load %arg9[%get3A_26, %get3A_27] {strides = array<i32>} : memref<32x16xi32, #tpu.memory_space<vmem>>, vector<16xi32>,
    %add3A_29 = arith.addi %add3A_18, %get3A_28 : vector<16xi32>
    %broadcast_in_dim3A_30 = arith.constant 2 : i32
    %broadcast_in_dim3A_31 = vector.broadcast %broadcast_in_dim3A_30 : i32 to vector<16xi32>
    %lt3A_32 = vector.broadcast %add3A : i32 to vector<16xi32>
    %lt3A_33 = arith.cmpi slt, %broadcast_in_dim3A_31, %lt3A_32 : vector<16xi32>
    %add3A_34 = arith.addi %select_n3A_24, %get3A_28 : vector<16xi32>
    %select_n3A_35 = arith.select %lt3A_33, %add3A_34, %select_n3A_24 : vector<16xi1>, vector<16xi32>
    %get3A_36 = arith.constant 3 : i32
    %get3A_37 = arith.index_cast %get3A_36 : i32 to index
    %get3A_38 = arith.constant 0 : index
    %get3A_39 = tpu.vector_load %arg9[%get3A_37, %get3A_38] {strides = array<i32>} : memref<32x16xi32, #tpu.memory_space<vmem>>, vector<16xi32>,
    %add3A_40 = arith.addi %add3A_29, %get3A_39 : vector<16xi32>
    %broadcast_in_dim3A_41 = arith.constant 3 : i32
    %broadcast_in_dim3A_42 = vector.broadcast %broadcast_in_dim3A_41 : i32 to vector<16xi32>
    %lt3A_43 = vector.broadcast %add3A : i32 to vector<16xi32>
    %lt3A_44 = arith.cmpi slt, %broadcast_in_dim3A_42, %lt3A_43 : vector<16xi32>
    %add3A_45 = arith.addi %select_n3A_35, %get3A_39 : vector<16xi32>
    %select_n3A_46 = arith.select %lt3A_44, %add3A_45, %select_n3A_35 : vector<16xi1>, vector<16xi32>
    %get3A_47 = arith.constant 4 : i32
    %get3A_48 = arith.index_cast %get3A_47 : i32 to index
    %get3A_49 = arith.constant 0 : index
    %get3A_50 = tpu.vector_load %arg9[%get3A_48, %get3A_49] {strides = array<i32>} : memref<32x16xi32, #tpu.memory_space<vmem>>, vector<16xi32>,
    %add3A_51 = arith.addi %add3A_40, %get3A_50 : vector<16xi32>
    %broadcast_in_dim3A_52 = arith.constant 4 : i32
    %broadcast_in_dim3A_53 = vector.broadcast %broadcast_in_dim3A_52 : i32 to vector<16xi32>
    %lt3A_54 = vector.broadcast %add3A : i32 to vector<16xi32>
    %lt3A_55 = arith.cmpi slt, %broadcast_in_dim3A_53, %lt3A_54 : vector<16xi32>
    %add3A_56 = arith.addi %select_n3A_46, %get3A_50 : vector<16xi32>
    %select_n3A_57 = arith.select %lt3A_55, %add3A_56, %select_n3A_46 : vector<16xi1>, vector<16xi32>
    %get3A_58 = arith.constant 5 : i32
    %get3A_59 = arith.index_cast %get3A_58 : i32 to index
    %get3A_60 = arith.constant 0 : index
    %get3A_61 = tpu.vector_load %arg9[%get3A_59, %get3A_60] {strides = array<i32>} : memref<32x16xi32, #tpu.memory_space<vmem>>, vector<16xi32>,
    %add3A_62 = arith.addi %add3A_51, %get3A_61 : vector<16xi32>
    %broadcast_in_dim3A_63 = arith.constant 5 : i32
    %broadcast_in_dim3A_64 = vector.broadcast %broadcast_in_dim3A_63 : i32 to vector<16xi32>
    %lt3A_65 = vector.broadcast %add3A : i32 to vector<16xi32>
    %lt3A_66 = arith.cmpi slt, %broadcast_in_dim3A_64, %lt3A_65 : vector<16xi32>
    %add3A_67 = arith.addi %select_n3A_57, %get3A_61 : vector<16xi32>
    %select_n3A_68 = arith.select %lt3A_66, %add3A_67, %select_n3A_57 : vector<16xi1>, vector<16xi32>
    %get3A_69 = arith.constant 6 : i32
    %get3A_70 = arith.index_cast %get3A_69 : i32 to index
    %get3A_71 = arith.constant 0 : index
    %get3A_72 = tpu.vector_load %arg9[%get3A_70, %get3A_71] {strides = array<i32>} : memref<32x16xi32, #tpu.memory_space<vmem>>, vector<16xi32>,
    %add3A_73 = arith.addi %add3A_62, %get3A_72 : vector<16xi32>
    %broadcast_in_dim3A_74 = arith.constant 6 : i32
    %broadcast_in_dim3A_75 = vector.broadcast %broadcast_in_dim3A_74 : i32 to vector<16xi32>
    %lt3A_76 = vector.broadcast %add3A : i32 to vector<16xi32>
    %lt3A_77 = arith.cmpi slt, %broadcast_in_dim3A_75, %lt3A_76 : vector<16xi32>
    %add3A_78 = arith.addi %select_n3A_68, %get3A_72 : vector<16xi32>
    %select_n3A_79 = arith.select %lt3A_77, %add3A_78, %select_n3A_68 : vector<16xi1>, vector<16xi32>
    %get3A_80 = arith.constant 7 : i32
    %get3A_81 = arith.index_cast %get3A_80 : i32 to index
    %get3A_82 = arith.constant 0 : index
    %get3A_83 = tpu.vector_load %arg9[%get3A_81, %get3A_82] {strides = array<i32>} : memref<32x16xi32, #tpu.memory_space<vmem>>, vector<16xi32>,
    %add3A_84 = arith.addi %add3A_73, %get3A_83 : vector<16xi32>
    %broadcast_in_dim3A_85 = arith.constant 7 : i32
    %broadcast_in_dim3A_86 = vector.broadcast %broadcast_in_dim3A_85 : i32 to vector<16xi32>
    %lt3A_87 = vector.broadcast %add3A : i32 to vector<16xi32>
    %lt3A_88 = arith.cmpi slt, %broadcast_in_dim3A_86, %lt3A_87 : vector<16xi32>
    %add3A_89 = arith.addi %select_n3A_79, %get3A_83 : vector<16xi32>
    %select_n3A_90 = arith.select %lt3A_88, %add3A_89, %select_n3A_79 : vector<16xi1>, vector<16xi32>
    %get3A_91 = arith.constant 8 : i32
    %get3A_92 = arith.index_cast %get3A_91 : i32 to index
    %get3A_93 = arith.constant 0 : index
    %get3A_94 = tpu.vector_load %arg9[%get3A_92, %get3A_93] {strides = array<i32>} : memref<32x16xi32, #tpu.memory_space<vmem>>, vector<16xi32>,
    %add3A_95 = arith.addi %add3A_84, %get3A_94 : vector<16xi32>
    %broadcast_in_dim3A_96 = arith.constant 8 : i32
    %broadcast_in_dim3A_97 = vector.broadcast %broadcast_in_dim3A_96 : i32 to vector<16xi32>
    %lt3A_98 = vector.broadcast %add3A : i32 to vector<16xi32>
    %lt3A_99 = arith.cmpi slt, %broadcast_in_dim3A_97, %lt3A_98 : vector<16xi32>
    %add3A_100 = arith.addi %select_n3A_90, %get3A_94 : vector<16xi32>
    %select_n3A_101 = arith.select %lt3A_99, %add3A_100, %select_n3A_90 : vector<16xi1>, vector<16xi32>
    %get3A_102 = arith.constant 9 : i32
    %get3A_103 = arith.index_cast %get3A_102 : i32 to index
    %get3A_104 = arith.constant 0 : index
    %get3A_105 = tpu.vector_load %arg9[%get3A_103, %get3A_104] {strides = array<i32>} : memref<32x16xi32, #tpu.memory_space<vmem>>, vector<16xi32>,
    %add3A_106 = arith.addi %add3A_95, %get3A_105 : vector<16xi32>
    %broadcast_in_dim3A_107 = arith.constant 9 : i32
    %broadcast_in_dim3A_108 = vector.broadcast %broadcast_in_dim3A_107 : i32 to vector<16xi32>
    %lt3A_109 = vector.broadcast %add3A : i32 to vector<16xi32>
    %lt3A_110 = arith.cmpi slt, %broadcast_in_dim3A_108, %lt3A_109 : vector<16xi32>
    %add3A_111 = arith.addi %select_n3A_101, %get3A_105 : vector<16xi32>
    %select_n3A_112 = arith.select %lt3A_110, %add3A_111, %select_n3A_101 : vector<16xi1>, vector<16xi32>
    %get3A_113 = arith.constant 10 : i32
    %get3A_114 = arith.index_cast %get3A_113 : i32 to index
    %get3A_115 = arith.constant 0 : index
    %get3A_116 = tpu.vector_load %arg9[%get3A_114, %get3A_115] {strides = array<i32>} : memref<32x16xi32, #tpu.memory_space<vmem>>, vector<16xi32>,
    %add3A_117 = arith.addi %add3A_106, %get3A_116 : vector<16xi32>
    %broadcast_in_dim3A_118 = arith.constant 10 : i32
    %broadcast_in_dim3A_119 = vector.broadcast %broadcast_in_dim3A_118 : i32 to vector<16xi32>
    %lt3A_120 = vector.broadcast %add3A : i32 to vector<16xi32>
    %lt3A_121 = arith.cmpi slt, %broadcast_in_dim3A_119, %lt3A_120 : vector<16xi32>
    %add3A_122 = arith.addi %select_n3A_112, %get3A_116 : vector<16xi32>
    %select_n3A_123 = arith.select %lt3A_121, %add3A_122, %select_n3A_112 : vector<16xi1>, vector<16xi32>
    %get3A_124 = arith.constant 11 : i32
    %get3A_125 = arith.index_cast %get3A_124 : i32 to index
    %get3A_126 = arith.constant 0 : index
    %get3A_127 = tpu.vector_load %arg9[%get3A_125, %get3A_126] {strides = array<i32>} : memref<32x16xi32, #tpu.memory_space<vmem>>, vector<16xi32>,
    %add3A_128 = arith.addi %add3A_117, %get3A_127 : vector<16xi32>
    %broadcast_in_dim3A_129 = arith.constant 11 : i32
    %broadcast_in_dim3A_130 = vector.broadcast %broadcast_in_dim3A_129 : i32 to vector<16xi32>
    %lt3A_131 = vector.broadcast %add3A : i32 to vector<16xi32>
    %lt3A_132 = arith.cmpi slt, %broadcast_in_dim3A_130, %lt3A_131 : vector<16xi32>
    %add3A_133 = arith.addi %select_n3A_123, %get3A_127 : vector<16xi32>
    %select_n3A_134 = arith.select %lt3A_132, %add3A_133, %select_n3A_123 : vector<16xi1>, vector<16xi32>
    %get3A_135 = arith.constant 12 : i32
    %get3A_136 = arith.index_cast %get3A_135 : i32 to index
    %get3A_137 = arith.constant 0 : index
    %get3A_138 = tpu.vector_load %arg9[%get3A_136, %get3A_137] {strides = array<i32>} : memref<32x16xi32, #tpu.memory_space<vmem>>, vector<16xi32>,
    %add3A_139 = arith.addi %add3A_128, %get3A_138 : vector<16xi32>
    %broadcast_in_dim3A_140 = arith.constant 12 : i32
    %broadcast_in_dim3A_141 = vector.broadcast %broadcast_in_dim3A_140 : i32 to vector<16xi32>
    %lt3A_142 = vector.broadcast %add3A : i32 to vector<16xi32>
    %lt3A_143 = arith.cmpi slt, %broadcast_in_dim3A_141, %lt3A_142 : vector<16xi32>
    %add3A_144 = arith.addi %select_n3A_134, %get3A_138 : vector<16xi32>
    %select_n3A_145 = arith.select %lt3A_143, %add3A_144, %select_n3A_134 : vector<16xi1>, vector<16xi32>
    %get3A_146 = arith.constant 13 : i32
    %get3A_147 = arith.index_cast %get3A_146 : i32 to index
    %get3A_148 = arith.constant 0 : index
    %get3A_149 = tpu.vector_load %arg9[%get3A_147, %get3A_148] {strides = array<i32>} : memref<32x16xi32, #tpu.memory_space<vmem>>, vector<16xi32>,
    %add3A_150 = arith.addi %add3A_139, %get3A_149 : vector<16xi32>
    %broadcast_in_dim3A_151 = arith.constant 13 : i32
    %broadcast_in_dim3A_152 = vector.broadcast %broadcast_in_dim3A_151 : i32 to vector<16xi32>
    %lt3A_153 = vector.broadcast %add3A : i32 to vector<16xi32>
    %lt3A_154 = arith.cmpi slt, %broadcast_in_dim3A_152, %lt3A_153 : vector<16xi32>
    %add3A_155 = arith.addi %select_n3A_145, %get3A_149 : vector<16xi32>
    %select_n3A_156 = arith.select %lt3A_154, %add3A_155, %select_n3A_145 : vector<16xi1>, vector<16xi32>
    %get3A_157 = arith.constant 14 : i32
    %get3A_158 = arith.index_cast %get3A_157 : i32 to index
    %get3A_159 = arith.constant 0 : index
    %get3A_160 = tpu.vector_load %arg9[%get3A_158, %get3A_159] {strides = array<i32>} : memref<32x16xi32, #tpu.memory_space<vmem>>, vector<16xi32>,
    %add3A_161 = arith.addi %add3A_150, %get3A_160 : vector<16xi32>
    %broadcast_in_dim3A_162 = arith.constant 14 : i32
    %broadcast_in_dim3A_163 = vector.broadcast %broadcast_in_dim3A_162 : i32 to vector<16xi32>
    %lt3A_164 = vector.broadcast %add3A : i32 to vector<16xi32>
    %lt3A_165 = arith.cmpi slt, %broadcast_in_dim3A_163, %lt3A_164 : vector<16xi32>
    %add3A_166 = arith.addi %select_n3A_156, %get3A_160 : vector<16xi32>
    %select_n3A_167 = arith.select %lt3A_165, %add3A_166, %select_n3A_156 : vector<16xi1>, vector<16xi32>
    %get3A_168 = arith.constant 15 : i32
    %get3A_169 = arith.index_cast %get3A_168 : i32 to index
    %get3A_170 = arith.constant 0 : index
    %get3A_171 = tpu.vector_load %arg9[%get3A_169, %get3A_170] {strides = array<i32>} : memref<32x16xi32, #tpu.memory_space<vmem>>, vector<16xi32>,
    %add3A_172 = arith.addi %add3A_161, %get3A_171 : vector<16xi32>
    %broadcast_in_dim3A_173 = arith.constant 15 : i32
    %broadcast_in_dim3A_174 = vector.broadcast %broadcast_in_dim3A_173 : i32 to vector<16xi32>
    %lt3A_175 = vector.broadcast %add3A : i32 to vector<16xi32>
    %lt3A_176 = arith.cmpi slt, %broadcast_in_dim3A_174, %lt3A_175 : vector<16xi32>
    %add3A_177 = arith.addi %select_n3A_167, %get3A_171 : vector<16xi32>
    %select_n3A_178 = arith.select %lt3A_176, %add3A_177, %select_n3A_167 : vector<16xi1>, vector<16xi32>
    %get3A_179 = arith.constant 16 : i32
    %get3A_180 = arith.index_cast %get3A_179 : i32 to index
    %get3A_181 = arith.constant 0 : index
    %get3A_182 = tpu.vector_load %arg9[%get3A_180, %get3A_181] {strides = array<i32>} : memref<32x16xi32, #tpu.memory_space<vmem>>, vector<16xi32>,
    %add3A_183 = arith.addi %add3A_172, %get3A_182 : vector<16xi32>
    %broadcast_in_dim3A_184 = arith.constant 16 : i32
    %broadcast_in_dim3A_185 = vector.broadcast %broadcast_in_dim3A_184 : i32 to vector<16xi32>
    %lt3A_186 = vector.broadcast %add3A : i32 to vector<16xi32>
    %lt3A_187 = arith.cmpi slt, %broadcast_in_dim3A_185, %lt3A_186 : vector<16xi32>
    %add3A_188 = arith.addi %select_n3A_178, %get3A_182 : vector<16xi32>
    %select_n3A_189 = arith.select %lt3A_187, %add3A_188, %select_n3A_178 : vector<16xi1>, vector<16xi32>
    %get3A_190 = arith.constant 17 : i32
    %get3A_191 = arith.index_cast %get3A_190 : i32 to index
    %get3A_192 = arith.constant 0 : index
    %get3A_193 = tpu.vector_load %arg9[%get3A_191, %get3A_192] {strides = array<i32>} : memref<32x16xi32, #tpu.memory_space<vmem>>, vector<16xi32>,
    %add3A_194 = arith.addi %add3A_183, %get3A_193 : vector<16xi32>
    %broadcast_in_dim3A_195 = arith.constant 17 : i32
    %broadcast_in_dim3A_196 = vector.broadcast %broadcast_in_dim3A_195 : i32 to vector<16xi32>
    %lt3A_197 = vector.broadcast %add3A : i32 to vector<16xi32>
    %lt3A_198 = arith.cmpi slt, %broadcast_in_dim3A_196, %lt3A_197 : vector<16xi32>
    %add3A_199 = arith.addi %select_n3A_189, %get3A_193 : vector<16xi32>
    %select_n3A_200 = arith.select %lt3A_198, %add3A_199, %select_n3A_189 : vector<16xi1>, vector<16xi32>
    %get3A_201 = arith.constant 18 : i32
    %get3A_202 = arith.index_cast %get3A_201 : i32 to index
    %get3A_203 = arith.constant 0 : index
    %get3A_204 = tpu.vector_load %arg9[%get3A_202, %get3A_203] {strides = array<i32>} : memref<32x16xi32, #tpu.memory_space<vmem>>, vector<16xi32>,
    %add3A_205 = arith.addi %add3A_194, %get3A_204 : vector<16xi32>
    %broadcast_in_dim3A_206 = arith.constant 18 : i32
    %broadcast_in_dim3A_207 = vector.broadcast %broadcast_in_dim3A_206 : i32 to vector<16xi32>
    %lt3A_208 = vector.broadcast %add3A : i32 to vector<16xi32>
    %lt3A_209 = arith.cmpi slt, %broadcast_in_dim3A_207, %lt3A_208 : vector<16xi32>
    %add3A_210 = arith.addi %select_n3A_200, %get3A_204 : vector<16xi32>
    %select_n3A_211 = arith.select %lt3A_209, %add3A_210, %select_n3A_200 : vector<16xi1>, vector<16xi32>
    %get3A_212 = arith.constant 19 : i32
    %get3A_213 = arith.index_cast %get3A_212 : i32 to index
    %get3A_214 = arith.constant 0 : index
    %get3A_215 = tpu.vector_load %arg9[%get3A_213, %get3A_214] {strides = array<i32>} : memref<32x16xi32, #tpu.memory_space<vmem>>, vector<16xi32>,
    %add3A_216 = arith.addi %add3A_205, %get3A_215 : vector<16xi32>
    %broadcast_in_dim3A_217 = arith.constant 19 : i32
    %broadcast_in_dim3A_218 = vector.broadcast %broadcast_in_dim3A_217 : i32 to vector<16xi32>
    %lt3A_219 = vector.broadcast %add3A : i32 to vector<16xi32>
    %lt3A_220 = arith.cmpi slt, %broadcast_in_dim3A_218, %lt3A_219 : vector<16xi32>
    %add3A_221 = arith.addi %select_n3A_211, %get3A_215 : vector<16xi32>
    %select_n3A_222 = arith.select %lt3A_220, %add3A_221, %select_n3A_211 : vector<16xi1>, vector<16xi32>
    %get3A_223 = arith.constant 20 : i32
    %get3A_224 = arith.index_cast %get3A_223 : i32 to index
    %get3A_225 = arith.constant 0 : index
    %get3A_226 = tpu.vector_load %arg9[%get3A_224, %get3A_225] {strides = array<i32>} : memref<32x16xi32, #tpu.memory_space<vmem>>, vector<16xi32>,
    %add3A_227 = arith.addi %add3A_216, %get3A_226 : vector<16xi32>
    %broadcast_in_dim3A_228 = arith.constant 20 : i32
    %broadcast_in_dim3A_229 = vector.broadcast %broadcast_in_dim3A_228 : i32 to vector<16xi32>
    %lt3A_230 = vector.broadcast %add3A : i32 to vector<16xi32>
    %lt3A_231 = arith.cmpi slt, %broadcast_in_dim3A_229, %lt3A_230 : vector<16xi32>
    %add3A_232 = arith.addi %select_n3A_222, %get3A_226 : vector<16xi32>
    %select_n3A_233 = arith.select %lt3A_231, %add3A_232, %select_n3A_222 : vector<16xi1>, vector<16xi32>
    %get3A_234 = arith.constant 21 : i32
    %get3A_235 = arith.index_cast %get3A_234 : i32 to index
    %get3A_236 = arith.constant 0 : index
    %get3A_237 = tpu.vector_load %arg9[%get3A_235, %get3A_236] {strides = array<i32>} : memref<32x16xi32, #tpu.memory_space<vmem>>, vector<16xi32>,
    %add3A_238 = arith.addi %add3A_227, %get3A_237 : vector<16xi32>
    %broadcast_in_dim3A_239 = arith.constant 21 : i32
    %broadcast_in_dim3A_240 = vector.broadcast %broadcast_in_dim3A_239 : i32 to vector<16xi32>
    %lt3A_241 = vector.broadcast %add3A : i32 to vector<16xi32>
    %lt3A_242 = arith.cmpi slt, %broadcast_in_dim3A_240, %lt3A_241 : vector<16xi32>
    %add3A_243 = arith.addi %select_n3A_233, %get3A_237 : vector<16xi32>
    %select_n3A_244 = arith.select %lt3A_242, %add3A_243, %select_n3A_233 : vector<16xi1>, vector<16xi32>
    %get3A_245 = arith.constant 22 : i32
    %get3A_246 = arith.index_cast %get3A_245 : i32 to index
    %get3A_247 = arith.constant 0 : index
    %get3A_248 = tpu.vector_load %arg9[%get3A_246, %get3A_247] {strides = array<i32>} : memref<32x16xi32, #tpu.memory_space<vmem>>, vector<16xi32>,
    %add3A_249 = arith.addi %add3A_238, %get3A_248 : vector<16xi32>
    %broadcast_in_dim3A_250 = arith.constant 22 : i32
    %broadcast_in_dim3A_251 = vector.broadcast %broadcast_in_dim3A_250 : i32 to vector<16xi32>
    %lt3A_252 = vector.broadcast %add3A : i32 to vector<16xi32>
    %lt3A_253 = arith.cmpi slt, %broadcast_in_dim3A_251, %lt3A_252 : vector<16xi32>
    %add3A_254 = arith.addi %select_n3A_244, %get3A_248 : vector<16xi32>
    %select_n3A_255 = arith.select %lt3A_253, %add3A_254, %select_n3A_244 : vector<16xi1>, vector<16xi32>
    %get3A_256 = arith.constant 23 : i32
    %get3A_257 = arith.index_cast %get3A_256 : i32 to index
    %get3A_258 = arith.constant 0 : index
    %get3A_259 = tpu.vector_load %arg9[%get3A_257, %get3A_258] {strides = array<i32>} : memref<32x16xi32, #tpu.memory_space<vmem>>, vector<16xi32>,
    %add3A_260 = arith.addi %add3A_249, %get3A_259 : vector<16xi32>
    %broadcast_in_dim3A_261 = arith.constant 23 : i32
    %broadcast_in_dim3A_262 = vector.broadcast %broadcast_in_dim3A_261 : i32 to vector<16xi32>
    %lt3A_263 = vector.broadcast %add3A : i32 to vector<16xi32>
    %lt3A_264 = arith.cmpi slt, %broadcast_in_dim3A_262, %lt3A_263 : vector<16xi32>
    %add3A_265 = arith.addi %select_n3A_255, %get3A_259 : vector<16xi32>
    %select_n3A_266 = arith.select %lt3A_264, %add3A_265, %select_n3A_255 : vector<16xi1>, vector<16xi32>
    %get3A_267 = arith.constant 24 : i32
    %get3A_268 = arith.index_cast %get3A_267 : i32 to index
    %get3A_269 = arith.constant 0 : index
    %get3A_270 = tpu.vector_load %arg9[%get3A_268, %get3A_269] {strides = array<i32>} : memref<32x16xi32, #tpu.memory_space<vmem>>, vector<16xi32>,
    %add3A_271 = arith.addi %add3A_260, %get3A_270 : vector<16xi32>
    %broadcast_in_dim3A_272 = arith.constant 24 : i32
    %broadcast_in_dim3A_273 = vector.broadcast %broadcast_in_dim3A_272 : i32 to vector<16xi32>
    %lt3A_274 = vector.broadcast %add3A : i32 to vector<16xi32>
    %lt3A_275 = arith.cmpi slt, %broadcast_in_dim3A_273, %lt3A_274 : vector<16xi32>
    %add3A_276 = arith.addi %select_n3A_266, %get3A_270 : vector<16xi32>
    %select_n3A_277 = arith.select %lt3A_275, %add3A_276, %select_n3A_266 : vector<16xi1>, vector<16xi32>
    %get3A_278 = arith.constant 25 : i32
    %get3A_279 = arith.index_cast %get3A_278 : i32 to index
    %get3A_280 = arith.constant 0 : index
    %get3A_281 = tpu.vector_load %arg9[%get3A_279, %get3A_280] {strides = array<i32>} : memref<32x16xi32, #tpu.memory_space<vmem>>, vector<16xi32>,
    %add3A_282 = arith.addi %add3A_271, %get3A_281 : vector<16xi32>
    %broadcast_in_dim3A_283 = arith.constant 25 : i32
    %broadcast_in_dim3A_284 = vector.broadcast %broadcast_in_dim3A_283 : i32 to vector<16xi32>
    %lt3A_285 = vector.broadcast %add3A : i32 to vector<16xi32>
    %lt3A_286 = arith.cmpi slt, %broadcast_in_dim3A_284, %lt3A_285 : vector<16xi32>
    %add3A_287 = arith.addi %select_n3A_277, %get3A_281 : vector<16xi32>
    %select_n3A_288 = arith.select %lt3A_286, %add3A_287, %select_n3A_277 : vector<16xi1>, vector<16xi32>
    %get3A_289 = arith.constant 26 : i32
    %get3A_290 = arith.index_cast %get3A_289 : i32 to index
    %get3A_291 = arith.constant 0 : index
    %get3A_292 = tpu.vector_load %arg9[%get3A_290, %get3A_291] {strides = array<i32>} : memref<32x16xi32, #tpu.memory_space<vmem>>, vector<16xi32>,
    %add3A_293 = arith.addi %add3A_282, %get3A_292 : vector<16xi32>
    %broadcast_in_dim3A_294 = arith.constant 26 : i32
    %broadcast_in_dim3A_295 = vector.broadcast %broadcast_in_dim3A_294 : i32 to vector<16xi32>
    %lt3A_296 = vector.broadcast %add3A : i32 to vector<16xi32>
    %lt3A_297 = arith.cmpi slt, %broadcast_in_dim3A_295, %lt3A_296 : vector<16xi32>
    %add3A_298 = arith.addi %select_n3A_288, %get3A_292 : vector<16xi32>
    %select_n3A_299 = arith.select %lt3A_297, %add3A_298, %select_n3A_288 : vector<16xi1>, vector<16xi32>
    %get3A_300 = arith.constant 27 : i32
    %get3A_301 = arith.index_cast %get3A_300 : i32 to index
    %get3A_302 = arith.constant 0 : index
    %get3A_303 = tpu.vector_load %arg9[%get3A_301, %get3A_302] {strides = array<i32>} : memref<32x16xi32, #tpu.memory_space<vmem>>, vector<16xi32>,
    %add3A_304 = arith.addi %add3A_293, %get3A_303 : vector<16xi32>
    %broadcast_in_dim3A_305 = arith.constant 27 : i32
    %broadcast_in_dim3A_306 = vector.broadcast %broadcast_in_dim3A_305 : i32 to vector<16xi32>
    %lt3A_307 = vector.broadcast %add3A : i32 to vector<16xi32>
    %lt3A_308 = arith.cmpi slt, %broadcast_in_dim3A_306, %lt3A_307 : vector<16xi32>
    %add3A_309 = arith.addi %select_n3A_299, %get3A_303 : vector<16xi32>
    %select_n3A_310 = arith.select %lt3A_308, %add3A_309, %select_n3A_299 : vector<16xi1>, vector<16xi32>
    %get3A_311 = arith.constant 28 : i32
    %get3A_312 = arith.index_cast %get3A_311 : i32 to index
    %get3A_313 = arith.constant 0 : index
    %get3A_314 = tpu.vector_load %arg9[%get3A_312, %get3A_313] {strides = array<i32>} : memref<32x16xi32, #tpu.memory_space<vmem>>, vector<16xi32>,
    %add3A_315 = arith.addi %add3A_304, %get3A_314 : vector<16xi32>
    %broadcast_in_dim3A_316 = arith.constant 28 : i32
    %broadcast_in_dim3A_317 = vector.broadcast %broadcast_in_dim3A_316 : i32 to vector<16xi32>
    %lt3A_318 = vector.broadcast %add3A : i32 to vector<16xi32>
    %lt3A_319 = arith.cmpi slt, %broadcast_in_dim3A_317, %lt3A_318 : vector<16xi32>
    %add3A_320 = arith.addi %select_n3A_310, %get3A_314 : vector<16xi32>
    %select_n3A_321 = arith.select %lt3A_319, %add3A_320, %select_n3A_310 : vector<16xi1>, vector<16xi32>
    %get3A_322 = arith.constant 29 : i32
    %get3A_323 = arith.index_cast %get3A_322 : i32 to index
    %get3A_324 = arith.constant 0 : index
    %get3A_325 = tpu.vector_load %arg9[%get3A_323, %get3A_324] {strides = array<i32>} : memref<32x16xi32, #tpu.memory_space<vmem>>, vector<16xi32>,
    %add3A_326 = arith.addi %add3A_315, %get3A_325 : vector<16xi32>
    %broadcast_in_dim3A_327 = arith.constant 29 : i32
    %broadcast_in_dim3A_328 = vector.broadcast %broadcast_in_dim3A_327 : i32 to vector<16xi32>
    %lt3A_329 = vector.broadcast %add3A : i32 to vector<16xi32>
    %lt3A_330 = arith.cmpi slt, %broadcast_in_dim3A_328, %lt3A_329 : vector<16xi32>
    %add3A_331 = arith.addi %select_n3A_321, %get3A_325 : vector<16xi32>
    %select_n3A_332 = arith.select %lt3A_330, %add3A_331, %select_n3A_321 : vector<16xi1>, vector<16xi32>
    %get3A_333 = arith.constant 30 : i32
    %get3A_334 = arith.index_cast %get3A_333 : i32 to index
    %get3A_335 = arith.constant 0 : index
    %get3A_336 = tpu.vector_load %arg9[%get3A_334, %get3A_335] {strides = array<i32>} : memref<32x16xi32, #tpu.memory_space<vmem>>, vector<16xi32>,
    %add3A_337 = arith.addi %add3A_326, %get3A_336 : vector<16xi32>
    %broadcast_in_dim3A_338 = arith.constant 30 : i32
    %broadcast_in_dim3A_339 = vector.broadcast %broadcast_in_dim3A_338 : i32 to vector<16xi32>
    %lt3A_340 = vector.broadcast %add3A : i32 to vector<16xi32>
    %lt3A_341 = arith.cmpi slt, %broadcast_in_dim3A_339, %lt3A_340 : vector<16xi32>
    %add3A_342 = arith.addi %select_n3A_332, %get3A_336 : vector<16xi32>
    %select_n3A_343 = arith.select %lt3A_341, %add3A_342, %select_n3A_332 : vector<16xi1>, vector<16xi32>
    %get3A_344 = arith.constant 31 : i32
    %get3A_345 = arith.index_cast %get3A_344 : i32 to index
    %get3A_346 = arith.constant 0 : index
    %get3A_347 = tpu.vector_load %arg9[%get3A_345, %get3A_346] {strides = array<i32>} : memref<32x16xi32, #tpu.memory_space<vmem>>, vector<16xi32>,
    %add3A_348 = arith.addi %add3A_337, %get3A_347 : vector<16xi32>
    %broadcast_in_dim3A_349 = arith.constant 31 : i32
    %broadcast_in_dim3A_350 = vector.broadcast %broadcast_in_dim3A_349 : i32 to vector<16xi32>
    %lt3A_351 = vector.broadcast %add3A : i32 to vector<16xi32>
    %lt3A_352 = arith.cmpi slt, %broadcast_in_dim3A_350, %lt3A_351 : vector<16xi32>
    %add3A_353 = arith.addi %select_n3A_343, %get3A_347 : vector<16xi32>
    %select_n3A_354 = arith.select %lt3A_352, %add3A_353, %select_n3A_343 : vector<16xi1>, vector<16xi32>
    %add3A_355 = arith.constant 127 : i32
    %add3A_356 = vector.broadcast %add3A_355 : i32 to vector<16xi32>
    %add3A_357 = arith.addi %add3A_348, %add3A_356 : vector<16xi32>
    %jit3A = arith.constant 128 : i32
    %div3A = vector.broadcast %jit3A : i32 to vector<16xi32>
    %div3A_358 = arith.divsi %add3A_357, %div3A : vector<16xi32>
    %sign3A = arith.constant 0 : i32
    %sign3A_359 = vector.broadcast %sign3A : i32 to vector<16xi32>
    %sign3A_360 = arith.cmpi sgt, %add3A_357, %sign3A_359 : vector<16xi32>
    %sign3A_361 = arith.extui %sign3A_360 : vector<16xi1> to vector<16xi32>
    %sign3A_362 = arith.constant 0 : i32
    %sign3A_363 = vector.broadcast %sign3A_362 : i32 to vector<16xi32>
    %sign3A_364 = arith.cmpi slt, %add3A_357, %sign3A_363 : vector<16xi32>
    %sign3A_365 = arith.extui %sign3A_364 : vector<16xi1> to vector<16xi32>
    %sign3A_366 = arith.subi %sign3A_361, %sign3A_365 : vector<16xi32>
    %sign3A_367 = arith.constant 0 : i32
    %sign3A_368 = arith.cmpi sgt, %jit3A, %sign3A_367 : i32
    %sign3A_369 = arith.extui %sign3A_368 : i1 to i32
    %sign3A_370 = arith.constant 0 : i32
    %sign3A_371 = arith.cmpi slt, %jit3A, %sign3A_370 : i32
    %sign3A_372 = arith.extui %sign3A_371 : i1 to i32
    %sign3A_373 = arith.subi %sign3A_369, %sign3A_372 : i32
    %ne3A = vector.broadcast %sign3A_373 : i32 to vector<16xi32>
    %ne3A_374 = arith.cmpi ne, %sign3A_366, %ne3A : vector<16xi32>
    %rem3A = vector.broadcast %jit3A : i32 to vector<16xi32>
    %rem3A_375 = arith.remsi %add3A_357, %rem3A : vector<16xi32>
    %ne3A_376 = arith.constant 0 : i32
    %ne3A_377 = vector.broadcast %ne3A_376 : i32 to vector<16xi32>
    %ne3A_378 = arith.cmpi ne, %rem3A_375, %ne3A_377 : vector<16xi32>
    %and3A = arith.andi %ne3A_374, %ne3A_378 : vector<16xi1>
    %sub3A = arith.constant 1 : i32
    %sub3A_379 = vector.broadcast %sub3A : i32 to vector<16xi32>
    %sub3A_380 = arith.subi %div3A_358, %sub3A_379 : vector<16xi32>
    %select_n3A_381 = arith.select %and3A, %sub3A_380, %div3A_358 : vector<16xi1>, vector<16xi32>
    %broadcast_in_dim3A_382 = arith.constant true
    %broadcast_in_dim3A_383 = vector.broadcast %broadcast_in_dim3A_382 : i1 to vector<16xi1>
    %masked_cumsum3A = tpu.scan <sum>, %select_n3A_381 masked %broadcast_in_dim3A_383 : vector<16xi32>, vector<16xi1> -> vector<16xi32>
    %sub3A_384 = arith.subi %masked_cumsum3A, %select_n3A_381 : vector<16xi32>
    %mul3A_385 = arith.constant 128 : i32
    %mul3A_386 = vector.broadcast %mul3A_385 : i32 to vector<16xi32>
    %mul3A_387 = arith.muli %sub3A_384, %mul3A_386 : vector<16xi32>
    %add3A_388 = arith.addi %mul3A_387, %select_n3A_354 : vector<16xi32>
    %slice3A = vector.extract_strided_slice %add3A_388 {offsets = [0], sizes = [1], strides = [1]} : vector<16xi32> to vector<1xi32>
    %squeeze3A = vector.extract %slice3A[0] : i32 from vector<1xi32>
    %slice3A_389 = vector.extract_strided_slice %add3A_388 {offsets = [1], sizes = [1], strides = [1]} : vector<16xi32> to vector<1xi32>
    %squeeze3A_390 = vector.extract %slice3A_389[0] : i32 from vector<1xi32>
    %slice3A_391 = vector.extract_strided_slice %add3A_388 {offsets = [2], sizes = [1], strides = [1]} : vector<16xi32> to vector<1xi32>
    %squeeze3A_392 = vector.extract %slice3A_391[0] : i32 from vector<1xi32>
    %slice3A_393 = vector.extract_strided_slice %add3A_388 {offsets = [3], sizes = [1], strides = [1]} : vector<16xi32> to vector<1xi32>
    %squeeze3A_394 = vector.extract %slice3A_393[0] : i32 from vector<1xi32>
    %slice3A_395 = vector.extract_strided_slice %add3A_388 {offsets = [4], sizes = [1], strides = [1]} : vector<16xi32> to vector<1xi32>
    %squeeze3A_396 = vector.extract %slice3A_395[0] : i32 from vector<1xi32>
    %slice3A_397 = vector.extract_strided_slice %add3A_388 {offsets = [5], sizes = [1], strides = [1]} : vector<16xi32> to vector<1xi32>
    %squeeze3A_398 = vector.extract %slice3A_397[0] : i32 from vector<1xi32>
    %slice3A_399 = vector.extract_strided_slice %add3A_388 {offsets = [6], sizes = [1], strides = [1]} : vector<16xi32> to vector<1xi32>
    %squeeze3A_400 = vector.extract %slice3A_399[0] : i32 from vector<1xi32>
    %slice3A_401 = vector.extract_strided_slice %add3A_388 {offsets = [7], sizes = [1], strides = [1]} : vector<16xi32> to vector<1xi32>
    %squeeze3A_402 = vector.extract %slice3A_401[0] : i32 from vector<1xi32>
    %get3A_403 = arith.constant 0 : index
    %get3A_404 = tpu.vector_load %arg10[%get3A_403] {strides = array<i32>} : memref<64xi32, #tpu.memory_space<vmem>>, vector<16xi32>,
    %broadcast_in_dim3A_405 = arith.constant 0 : i32
    %broadcast_in_dim3A_406 = vector.broadcast %broadcast_in_dim3A_405 : i32 to vector<16xi32>
    %eq3A = arith.constant 0 : i32
    %eq3A_407 = vector.broadcast %eq3A : i32 to vector<16xi32>
    %eq3A_408 = arith.cmpi eq, %get3A_404, %eq3A_407 : vector<16xi32>
    %convert_element_type3A = arith.extui %eq3A_408 : vector<16xi1> to vector<16xi32>
    %broadcast_in_dim3A_409 = arith.constant true
    %broadcast_in_dim3A_410 = vector.broadcast %broadcast_in_dim3A_409 : i1 to vector<16xi1>
    %masked_cumsum3A_411 = tpu.scan <sum>, %convert_element_type3A masked %broadcast_in_dim3A_410 : vector<16xi32>, vector<16xi1> -> vector<16xi32>
    %add3A_412 = vector.broadcast %squeeze3A : i32 to vector<16xi32>
    %add3A_413 = arith.addi %add3A_412, %masked_cumsum3A_411 : vector<16xi32>
    %sub3A_414 = arith.constant 1 : i32
    %sub3A_415 = vector.broadcast %sub3A_414 : i32 to vector<16xi32>
    %sub3A_416 = arith.subi %add3A_413, %sub3A_415 : vector<16xi32>
    %select_n3A_417 = arith.select %eq3A_408, %sub3A_416, %broadcast_in_dim3A_406 : vector<16xi1>, vector<16xi32>
    %slice3A_418 = vector.extract_strided_slice %masked_cumsum3A_411 {offsets = [15], sizes = [1], strides = [1]} : vector<16xi32> to vector<1xi32>
    %squeeze3A_419 = vector.extract %slice3A_418[0] : i32 from vector<1xi32>
    %add3A_420 = arith.addi %squeeze3A, %squeeze3A_419 : i32
    %eq3A_421 = arith.constant 1 : i32
    %eq3A_422 = vector.broadcast %eq3A_421 : i32 to vector<16xi32>
    %eq3A_423 = arith.cmpi eq, %get3A_404, %eq3A_422 : vector<16xi32>
    %convert_element_type3A_424 = arith.extui %eq3A_423 : vector<16xi1> to vector<16xi32>
    %broadcast_in_dim3A_425 = arith.constant true
    %broadcast_in_dim3A_426 = vector.broadcast %broadcast_in_dim3A_425 : i1 to vector<16xi1>
    %masked_cumsum3A_427 = tpu.scan <sum>, %convert_element_type3A_424 masked %broadcast_in_dim3A_426 : vector<16xi32>, vector<16xi1> -> vector<16xi32>
    %add3A_428 = vector.broadcast %squeeze3A_390 : i32 to vector<16xi32>
    %add3A_429 = arith.addi %add3A_428, %masked_cumsum3A_427 : vector<16xi32>
    %sub3A_430 = arith.constant 1 : i32
    %sub3A_431 = vector.broadcast %sub3A_430 : i32 to vector<16xi32>
    %sub3A_432 = arith.subi %add3A_429, %sub3A_431 : vector<16xi32>
    %select_n3A_433 = arith.select %eq3A_423, %sub3A_432, %select_n3A_417 : vector<16xi1>, vector<16xi32>
    %slice3A_434 = vector.extract_strided_slice %masked_cumsum3A_427 {offsets = [15], sizes = [1], strides = [1]} : vector<16xi32> to vector<1xi32>
    %squeeze3A_435 = vector.extract %slice3A_434[0] : i32 from vector<1xi32>
    %add3A_436 = arith.addi %squeeze3A_390, %squeeze3A_435 : i32
    %eq3A_437 = arith.constant 2 : i32
    %eq3A_438 = vector.broadcast %eq3A_437 : i32 to vector<16xi32>
    %eq3A_439 = arith.cmpi eq, %get3A_404, %eq3A_438 : vector<16xi32>
    %convert_element_type3A_440 = arith.extui %eq3A_439 : vector<16xi1> to vector<16xi32>
    %broadcast_in_dim3A_441 = arith.constant true
    %broadcast_in_dim3A_442 = vector.broadcast %broadcast_in_dim3A_441 : i1 to vector<16xi1>
    %masked_cumsum3A_443 = tpu.scan <sum>, %convert_element_type3A_440 masked %broadcast_in_dim3A_442 : vector<16xi32>, vector<16xi1> -> vector<16xi32>
    %add3A_444 = vector.broadcast %squeeze3A_392 : i32 to vector<16xi32>
    %add3A_445 = arith.addi %add3A_444, %masked_cumsum3A_443 : vector<16xi32>
    %sub3A_446 = arith.constant 1 : i32
    %sub3A_447 = vector.broadcast %sub3A_446 : i32 to vector<16xi32>
    %sub3A_448 = arith.subi %add3A_445, %sub3A_447 : vector<16xi32>
    %select_n3A_449 = arith.select %eq3A_439, %sub3A_448, %select_n3A_433 : vector<16xi1>, vector<16xi32>
    %slice3A_450 = vector.extract_strided_slice %masked_cumsum3A_443 {offsets = [15], sizes = [1], strides = [1]} : vector<16xi32> to vector<1xi32>
    %squeeze3A_451 = vector.extract %slice3A_450[0] : i32 from vector<1xi32>
    %add3A_452 = arith.addi %squeeze3A_392, %squeeze3A_451 : i32
    %eq3A_453 = arith.constant 3 : i32
    %eq3A_454 = vector.broadcast %eq3A_453 : i32 to vector<16xi32>
    %eq3A_455 = arith.cmpi eq, %get3A_404, %eq3A_454 : vector<16xi32>
    %convert_element_type3A_456 = arith.extui %eq3A_455 : vector<16xi1> to vector<16xi32>
    %broadcast_in_dim3A_457 = arith.constant true
    %broadcast_in_dim3A_458 = vector.broadcast %broadcast_in_dim3A_457 : i1 to vector<16xi1>
    %masked_cumsum3A_459 = tpu.scan <sum>, %convert_element_type3A_456 masked %broadcast_in_dim3A_458 : vector<16xi32>, vector<16xi1> -> vector<16xi32>
    %add3A_460 = vector.broadcast %squeeze3A_394 : i32 to vector<16xi32>
    %add3A_461 = arith.addi %add3A_460, %masked_cumsum3A_459 : vector<16xi32>
    %sub3A_462 = arith.constant 1 : i32
    %sub3A_463 = vector.broadcast %sub3A_462 : i32 to vector<16xi32>
    %sub3A_464 = arith.subi %add3A_461, %sub3A_463 : vector<16xi32>
    %select_n3A_465 = arith.select %eq3A_455, %sub3A_464, %select_n3A_449 : vector<16xi1>, vector<16xi32>
    %slice3A_466 = vector.extract_strided_slice %masked_cumsum3A_459 {offsets = [15], sizes = [1], strides = [1]} : vector<16xi32> to vector<1xi32>
    %squeeze3A_467 = vector.extract %slice3A_466[0] : i32 from vector<1xi32>
    %add3A_468 = arith.addi %squeeze3A_394, %squeeze3A_467 : i32
    %eq3A_469 = arith.constant 4 : i32
    %eq3A_470 = vector.broadcast %eq3A_469 : i32 to vector<16xi32>
    %eq3A_471 = arith.cmpi eq, %get3A_404, %eq3A_470 : vector<16xi32>
    %convert_element_type3A_472 = arith.extui %eq3A_471 : vector<16xi1> to vector<16xi32>
    %broadcast_in_dim3A_473 = arith.constant true
    %broadcast_in_dim3A_474 = vector.broadcast %broadcast_in_dim3A_473 : i1 to vector<16xi1>
    %masked_cumsum3A_475 = tpu.scan <sum>, %convert_element_type3A_472 masked %broadcast_in_dim3A_474 : vector<16xi32>, vector<16xi1> -> vector<16xi32>
    %add3A_476 = vector.broadcast %squeeze3A_396 : i32 to vector<16xi32>
    %add3A_477 = arith.addi %add3A_476, %masked_cumsum3A_475 : vector<16xi32>
    %sub3A_478 = arith.constant 1 : i32
    %sub3A_479 = vector.broadcast %sub3A_478 : i32 to vector<16xi32>
    %sub3A_480 = arith.subi %add3A_477, %sub3A_479 : vector<16xi32>
    %select_n3A_481 = arith.select %eq3A_471, %sub3A_480, %select_n3A_465 : vector<16xi1>, vector<16xi32>
    %slice3A_482 = vector.extract_strided_slice %masked_cumsum3A_475 {offsets = [15], sizes = [1], strides = [1]} : vector<16xi32> to vector<1xi32>
    %squeeze3A_483 = vector.extract %slice3A_482[0] : i32 from vector<1xi32>
    %add3A_484 = arith.addi %squeeze3A_396, %squeeze3A_483 : i32
    %eq3A_485 = arith.constant 5 : i32
    %eq3A_486 = vector.broadcast %eq3A_485 : i32 to vector<16xi32>
    %eq3A_487 = arith.cmpi eq, %get3A_404, %eq3A_486 : vector<16xi32>
    %convert_element_type3A_488 = arith.extui %eq3A_487 : vector<16xi1> to vector<16xi32>
    %broadcast_in_dim3A_489 = arith.constant true
    %broadcast_in_dim3A_490 = vector.broadcast %broadcast_in_dim3A_489 : i1 to vector<16xi1>
    %masked_cumsum3A_491 = tpu.scan <sum>, %convert_element_type3A_488 masked %broadcast_in_dim3A_490 : vector<16xi32>, vector<16xi1> -> vector<16xi32>
    %add3A_492 = vector.broadcast %squeeze3A_398 : i32 to vector<16xi32>
    %add3A_493 = arith.addi %add3A_492, %masked_cumsum3A_491 : vector<16xi32>
    %sub3A_494 = arith.constant 1 : i32
    %sub3A_495 = vector.broadcast %sub3A_494 : i32 to vector<16xi32>
    %sub3A_496 = arith.subi %add3A_493, %sub3A_495 : vector<16xi32>
    %select_n3A_497 = arith.select %eq3A_487, %sub3A_496, %select_n3A_481 : vector<16xi1>, vector<16xi32>
    %slice3A_498 = vector.extract_strided_slice %masked_cumsum3A_491 {offsets = [15], sizes = [1], strides = [1]} : vector<16xi32> to vector<1xi32>
    %squeeze3A_499 = vector.extract %slice3A_498[0] : i32 from vector<1xi32>
    %add3A_500 = arith.addi %squeeze3A_398, %squeeze3A_499 : i32
    %eq3A_501 = arith.constant 6 : i32
    %eq3A_502 = vector.broadcast %eq3A_501 : i32 to vector<16xi32>
    %eq3A_503 = arith.cmpi eq, %get3A_404, %eq3A_502 : vector<16xi32>
    %convert_element_type3A_504 = arith.extui %eq3A_503 : vector<16xi1> to vector<16xi32>
    %broadcast_in_dim3A_505 = arith.constant true
    %broadcast_in_dim3A_506 = vector.broadcast %broadcast_in_dim3A_505 : i1 to vector<16xi1>
    %masked_cumsum3A_507 = tpu.scan <sum>, %convert_element_type3A_504 masked %broadcast_in_dim3A_506 : vector<16xi32>, vector<16xi1> -> vector<16xi32>
    %add3A_508 = vector.broadcast %squeeze3A_400 : i32 to vector<16xi32>
    %add3A_509 = arith.addi %add3A_508, %masked_cumsum3A_507 : vector<16xi32>
    %sub3A_510 = arith.constant 1 : i32
    %sub3A_511 = vector.broadcast %sub3A_510 : i32 to vector<16xi32>
    %sub3A_512 = arith.subi %add3A_509, %sub3A_511 : vector<16xi32>
    %select_n3A_513 = arith.select %eq3A_503, %sub3A_512, %select_n3A_497 : vector<16xi1>, vector<16xi32>
    %slice3A_514 = vector.extract_strided_slice %masked_cumsum3A_507 {offsets = [15], sizes = [1], strides = [1]} : vector<16xi32> to vector<1xi32>
    %squeeze3A_515 = vector.extract %slice3A_514[0] : i32 from vector<1xi32>
    %add3A_516 = arith.addi %squeeze3A_400, %squeeze3A_515 : i32
    %eq3A_517 = arith.constant 7 : i32
    %eq3A_518 = vector.broadcast %eq3A_517 : i32 to vector<16xi32>
    %eq3A_519 = arith.cmpi eq, %get3A_404, %eq3A_518 : vector<16xi32>
    %convert_element_type3A_520 = arith.extui %eq3A_519 : vector<16xi1> to vector<16xi32>
    %broadcast_in_dim3A_521 = arith.constant true
    %broadcast_in_dim3A_522 = vector.broadcast %broadcast_in_dim3A_521 : i1 to vector<16xi1>
    %masked_cumsum3A_523 = tpu.scan <sum>, %convert_element_type3A_520 masked %broadcast_in_dim3A_522 : vector<16xi32>, vector<16xi1> -> vector<16xi32>
    %add3A_524 = vector.broadcast %squeeze3A_402 : i32 to vector<16xi32>
    %add3A_525 = arith.addi %add3A_524, %masked_cumsum3A_523 : vector<16xi32>
    %sub3A_526 = arith.constant 1 : i32
    %sub3A_527 = vector.broadcast %sub3A_526 : i32 to vector<16xi32>
    %sub3A_528 = arith.subi %add3A_525, %sub3A_527 : vector<16xi32>
    %select_n3A_529 = arith.select %eq3A_519, %sub3A_528, %select_n3A_513 : vector<16xi1>, vector<16xi32>
    %slice3A_530 = vector.extract_strided_slice %masked_cumsum3A_523 {offsets = [15], sizes = [1], strides = [1]} : vector<16xi32> to vector<1xi32>
    %squeeze3A_531 = vector.extract %slice3A_530[0] : i32 from vector<1xi32>
    %add3A_532 = arith.addi %squeeze3A_402, %squeeze3A_531 : i32
    %swap3A = arith.constant 0 : index
    %swap3A_533 = tpu.vector_load %arg11[%swap3A] {strides = array<i32>} : memref<64xi32, #tpu.memory_space<vmem>>, vector<16xi32>,
    tpu.vector_store %arg11[%swap3A], %select_n3A_529 {strides = array<i32>} : memref<64xi32, #tpu.memory_space<vmem>>, vector<16xi32>,
    %get3A_534 = arith.constant 16 : index
    %get3A_535 = tpu.vector_load %arg10[%get3A_534] {strides = array<i32>} : memref<64xi32, #tpu.memory_space<vmem>>, vector<16xi32>,
    %broadcast_in_dim3A_536 = arith.constant 0 : i32
    %broadcast_in_dim3A_537 = vector.broadcast %broadcast_in_dim3A_536 : i32 to vector<16xi32>
    %eq3A_538 = arith.constant 0 : i32
    %eq3A_539 = vector.broadcast %eq3A_538 : i32 to vector<16xi32>
    %eq3A_540 = arith.cmpi eq, %get3A_535, %eq3A_539 : vector<16xi32>
    %convert_element_type3A_541 = arith.extui %eq3A_540 : vector<16xi1> to vector<16xi32>
    %broadcast_in_dim3A_542 = arith.constant true
    %broadcast_in_dim3A_543 = vector.broadcast %broadcast_in_dim3A_542 : i1 to vector<16xi1>
    %masked_cumsum3A_544 = tpu.scan <sum>, %convert_element_type3A_541 masked %broadcast_in_dim3A_543 : vector<16xi32>, vector<16xi1> -> vector<16xi32>
    %add3A_545 = vector.broadcast %add3A_420 : i32 to vector<16xi32>
    %add3A_546 = arith.addi %add3A_545, %masked_cumsum3A_544 : vector<16xi32>
    %sub3A_547 = arith.constant 1 : i32
    %sub3A_548 = vector.broadcast %sub3A_547 : i32 to vector<16xi32>
    %sub3A_549 = arith.subi %add3A_546, %sub3A_548 : vector<16xi32>
    %select_n3A_550 = arith.select %eq3A_540, %sub3A_549, %broadcast_in_dim3A_537 : vector<16xi1>, vector<16xi32>
    %slice3A_551 = vector.extract_strided_slice %masked_cumsum3A_544 {offsets = [15], sizes = [1], strides = [1]} : vector<16xi32> to vector<1xi32>
    %squeeze3A_552 = vector.extract %slice3A_551[0] : i32 from vector<1xi32>
    %add3A_553 = arith.addi %add3A_420, %squeeze3A_552 : i32
    %eq3A_554 = arith.constant 1 : i32
    %eq3A_555 = vector.broadcast %eq3A_554 : i32 to vector<16xi32>
    %eq3A_556 = arith.cmpi eq, %get3A_535, %eq3A_555 : vector<16xi32>
    %convert_element_type3A_557 = arith.extui %eq3A_556 : vector<16xi1> to vector<16xi32>
    %broadcast_in_dim3A_558 = arith.constant true
    %broadcast_in_dim3A_559 = vector.broadcast %broadcast_in_dim3A_558 : i1 to vector<16xi1>
    %masked_cumsum3A_560 = tpu.scan <sum>, %convert_element_type3A_557 masked %broadcast_in_dim3A_559 : vector<16xi32>, vector<16xi1> -> vector<16xi32>
    %add3A_561 = vector.broadcast %add3A_436 : i32 to vector<16xi32>
    %add3A_562 = arith.addi %add3A_561, %masked_cumsum3A_560 : vector<16xi32>
    %sub3A_563 = arith.constant 1 : i32
    %sub3A_564 = vector.broadcast %sub3A_563 : i32 to vector<16xi32>
    %sub3A_565 = arith.subi %add3A_562, %sub3A_564 : vector<16xi32>
    %select_n3A_566 = arith.select %eq3A_556, %sub3A_565, %select_n3A_550 : vector<16xi1>, vector<16xi32>
    %slice3A_567 = vector.extract_strided_slice %masked_cumsum3A_560 {offsets = [15], sizes = [1], strides = [1]} : vector<16xi32> to vector<1xi32>
    %squeeze3A_568 = vector.extract %slice3A_567[0] : i32 from vector<1xi32>
    %add3A_569 = arith.addi %add3A_436, %squeeze3A_568 : i32
    %eq3A_570 = arith.constant 2 : i32
    %eq3A_571 = vector.broadcast %eq3A_570 : i32 to vector<16xi32>
    %eq3A_572 = arith.cmpi eq, %get3A_535, %eq3A_571 : vector<16xi32>
    %convert_element_type3A_573 = arith.extui %eq3A_572 : vector<16xi1> to vector<16xi32>
    %broadcast_in_dim3A_574 = arith.constant true
    %broadcast_in_dim3A_575 = vector.broadcast %broadcast_in_dim3A_574 : i1 to vector<16xi1>
    %masked_cumsum3A_576 = tpu.scan <sum>, %convert_element_type3A_573 masked %broadcast_in_dim3A_575 : vector<16xi32>, vector<16xi1> -> vector<16xi32>
    %add3A_577 = vector.broadcast %add3A_452 : i32 to vector<16xi32>
    %add3A_578 = arith.addi %add3A_577, %masked_cumsum3A_576 : vector<16xi32>
    %sub3A_579 = arith.constant 1 : i32
    %sub3A_580 = vector.broadcast %sub3A_579 : i32 to vector<16xi32>
    %sub3A_581 = arith.subi %add3A_578, %sub3A_580 : vector<16xi32>
    %select_n3A_582 = arith.select %eq3A_572, %sub3A_581, %select_n3A_566 : vector<16xi1>, vector<16xi32>
    %slice3A_583 = vector.extract_strided_slice %masked_cumsum3A_576 {offsets = [15], sizes = [1], strides = [1]} : vector<16xi32> to vector<1xi32>
    %squeeze3A_584 = vector.extract %slice3A_583[0] : i32 from vector<1xi32>
    %add3A_585 = arith.addi %add3A_452, %squeeze3A_584 : i32
    %eq3A_586 = arith.constant 3 : i32
    %eq3A_587 = vector.broadcast %eq3A_586 : i32 to vector<16xi32>
    %eq3A_588 = arith.cmpi eq, %get3A_535, %eq3A_587 : vector<16xi32>
    %convert_element_type3A_589 = arith.extui %eq3A_588 : vector<16xi1> to vector<16xi32>
    %broadcast_in_dim3A_590 = arith.constant true
    %broadcast_in_dim3A_591 = vector.broadcast %broadcast_in_dim3A_590 : i1 to vector<16xi1>
    %masked_cumsum3A_592 = tpu.scan <sum>, %convert_element_type3A_589 masked %broadcast_in_dim3A_591 : vector<16xi32>, vector<16xi1> -> vector<16xi32>
    %add3A_593 = vector.broadcast %add3A_468 : i32 to vector<16xi32>
    %add3A_594 = arith.addi %add3A_593, %masked_cumsum3A_592 : vector<16xi32>
    %sub3A_595 = arith.constant 1 : i32
    %sub3A_596 = vector.broadcast %sub3A_595 : i32 to vector<16xi32>
    %sub3A_597 = arith.subi %add3A_594, %sub3A_596 : vector<16xi32>
    %select_n3A_598 = arith.select %eq3A_588, %sub3A_597, %select_n3A_582 : vector<16xi1>, vector<16xi32>
    %slice3A_599 = vector.extract_strided_slice %masked_cumsum3A_592 {offsets = [15], sizes = [1], strides = [1]} : vector<16xi32> to vector<1xi32>
    %squeeze3A_600 = vector.extract %slice3A_599[0] : i32 from vector<1xi32>
    %add3A_601 = arith.addi %add3A_468, %squeeze3A_600 : i32
    %eq3A_602 = arith.constant 4 : i32
    %eq3A_603 = vector.broadcast %eq3A_602 : i32 to vector<16xi32>
    %eq3A_604 = arith.cmpi eq, %get3A_535, %eq3A_603 : vector<16xi32>
    %convert_element_type3A_605 = arith.extui %eq3A_604 : vector<16xi1> to vector<16xi32>
    %broadcast_in_dim3A_606 = arith.constant true
    %broadcast_in_dim3A_607 = vector.broadcast %broadcast_in_dim3A_606 : i1 to vector<16xi1>
    %masked_cumsum3A_608 = tpu.scan <sum>, %convert_element_type3A_605 masked %broadcast_in_dim3A_607 : vector<16xi32>, vector<16xi1> -> vector<16xi32>
    %add3A_609 = vector.broadcast %add3A_484 : i32 to vector<16xi32>
    %add3A_610 = arith.addi %add3A_609, %masked_cumsum3A_608 : vector<16xi32>
    %sub3A_611 = arith.constant 1 : i32
    %sub3A_612 = vector.broadcast %sub3A_611 : i32 to vector<16xi32>
    %sub3A_613 = arith.subi %add3A_610, %sub3A_612 : vector<16xi32>
    %select_n3A_614 = arith.select %eq3A_604, %sub3A_613, %select_n3A_598 : vector<16xi1>, vector<16xi32>
    %slice3A_615 = vector.extract_strided_slice %masked_cumsum3A_608 {offsets = [15], sizes = [1], strides = [1]} : vector<16xi32> to vector<1xi32>
    %squeeze3A_616 = vector.extract %slice3A_615[0] : i32 from vector<1xi32>
    %add3A_617 = arith.addi %add3A_484, %squeeze3A_616 : i32
    %eq3A_618 = arith.constant 5 : i32
    %eq3A_619 = vector.broadcast %eq3A_618 : i32 to vector<16xi32>
    %eq3A_620 = arith.cmpi eq, %get3A_535, %eq3A_619 : vector<16xi32>
    %convert_element_type3A_621 = arith.extui %eq3A_620 : vector<16xi1> to vector<16xi32>
    %broadcast_in_dim3A_622 = arith.constant true
    %broadcast_in_dim3A_623 = vector.broadcast %broadcast_in_dim3A_622 : i1 to vector<16xi1>
    %masked_cumsum3A_624 = tpu.scan <sum>, %convert_element_type3A_621 masked %broadcast_in_dim3A_623 : vector<16xi32>, vector<16xi1> -> vector<16xi32>
    %add3A_625 = vector.broadcast %add3A_500 : i32 to vector<16xi32>
    %add3A_626 = arith.addi %add3A_625, %masked_cumsum3A_624 : vector<16xi32>
    %sub3A_627 = arith.constant 1 : i32
    %sub3A_628 = vector.broadcast %sub3A_627 : i32 to vector<16xi32>
    %sub3A_629 = arith.subi %add3A_626, %sub3A_628 : vector<16xi32>
    %select_n3A_630 = arith.select %eq3A_620, %sub3A_629, %select_n3A_614 : vector<16xi1>, vector<16xi32>
    %slice3A_631 = vector.extract_strided_slice %masked_cumsum3A_624 {offsets = [15], sizes = [1], strides = [1]} : vector<16xi32> to vector<1xi32>
    %squeeze3A_632 = vector.extract %slice3A_631[0] : i32 from vector<1xi32>
    %add3A_633 = arith.addi %add3A_500, %squeeze3A_632 : i32
    %eq3A_634 = arith.constant 6 : i32
    %eq3A_635 = vector.broadcast %eq3A_634 : i32 to vector<16xi32>
    %eq3A_636 = arith.cmpi eq, %get3A_535, %eq3A_635 : vector<16xi32>
    %convert_element_type3A_637 = arith.extui %eq3A_636 : vector<16xi1> to vector<16xi32>
    %broadcast_in_dim3A_638 = arith.constant true
    %broadcast_in_dim3A_639 = vector.broadcast %broadcast_in_dim3A_638 : i1 to vector<16xi1>
    %masked_cumsum3A_640 = tpu.scan <sum>, %convert_element_type3A_637 masked %broadcast_in_dim3A_639 : vector<16xi32>, vector<16xi1> -> vector<16xi32>
    %add3A_641 = vector.broadcast %add3A_516 : i32 to vector<16xi32>
    %add3A_642 = arith.addi %add3A_641, %masked_cumsum3A_640 : vector<16xi32>
    %sub3A_643 = arith.constant 1 : i32
    %sub3A_644 = vector.broadcast %sub3A_643 : i32 to vector<16xi32>
    %sub3A_645 = arith.subi %add3A_642, %sub3A_644 : vector<16xi32>
    %select_n3A_646 = arith.select %eq3A_636, %sub3A_645, %select_n3A_630 : vector<16xi1>, vector<16xi32>
    %slice3A_647 = vector.extract_strided_slice %masked_cumsum3A_640 {offsets = [15], sizes = [1], strides = [1]} : vector<16xi32> to vector<1xi32>
    %squeeze3A_648 = vector.extract %slice3A_647[0] : i32 from vector<1xi32>
    %add3A_649 = arith.addi %add3A_516, %squeeze3A_648 : i32
    %eq3A_650 = arith.constant 7 : i32
    %eq3A_651 = vector.broadcast %eq3A_650 : i32 to vector<16xi32>
    %eq3A_652 = arith.cmpi eq, %get3A_535, %eq3A_651 : vector<16xi32>
    %convert_element_type3A_653 = arith.extui %eq3A_652 : vector<16xi1> to vector<16xi32>
    %broadcast_in_dim3A_654 = arith.constant true
    %broadcast_in_dim3A_655 = vector.broadcast %broadcast_in_dim3A_654 : i1 to vector<16xi1>
    %masked_cumsum3A_656 = tpu.scan <sum>, %convert_element_type3A_653 masked %broadcast_in_dim3A_655 : vector<16xi32>, vector<16xi1> -> vector<16xi32>
    %add3A_657 = vector.broadcast %add3A_532 : i32 to vector<16xi32>
    %add3A_658 = arith.addi %add3A_657, %masked_cumsum3A_656 : vector<16xi32>
    %sub3A_659 = arith.constant 1 : i32
    %sub3A_660 = vector.broadcast %sub3A_659 : i32 to vector<16xi32>
    %sub3A_661 = arith.subi %add3A_658, %sub3A_660 : vector<16xi32>
    %select_n3A_662 = arith.select %eq3A_652, %sub3A_661, %select_n3A_646 : vector<16xi1>, vector<16xi32>
    %slice3A_663 = vector.extract_strided_slice %masked_cumsum3A_656 {offsets = [15], sizes = [1], strides = [1]} : vector<16xi32> to vector<1xi32>
    %squeeze3A_664 = vector.extract %slice3A_663[0] : i32 from vector<1xi32>
    %add3A_665 = arith.addi %add3A_532, %squeeze3A_664 : i32
    %swap3A_666 = arith.constant 16 : index
    %swap3A_667 = tpu.vector_load %arg11[%swap3A_666] {strides = array<i32>} : memref<64xi32, #tpu.memory_space<vmem>>, vector<16xi32>,
    tpu.vector_store %arg11[%swap3A_666], %select_n3A_662 {strides = array<i32>} : memref<64xi32, #tpu.memory_space<vmem>>, vector<16xi32>,
    %get3A_668 = arith.constant 32 : index
    %get3A_669 = tpu.vector_load %arg10[%get3A_668] {strides = array<i32>} : memref<64xi32, #tpu.memory_space<vmem>>, vector<16xi32>,
    %broadcast_in_dim3A_670 = arith.constant 0 : i32
    %broadcast_in_dim3A_671 = vector.broadcast %broadcast_in_dim3A_670 : i32 to vector<16xi32>
    %eq3A_672 = arith.constant 0 : i32
    %eq3A_673 = vector.broadcast %eq3A_672 : i32 to vector<16xi32>
    %eq3A_674 = arith.cmpi eq, %get3A_669, %eq3A_673 : vector<16xi32>
    %convert_element_type3A_675 = arith.extui %eq3A_674 : vector<16xi1> to vector<16xi32>
    %broadcast_in_dim3A_676 = arith.constant true
    %broadcast_in_dim3A_677 = vector.broadcast %broadcast_in_dim3A_676 : i1 to vector<16xi1>
    %masked_cumsum3A_678 = tpu.scan <sum>, %convert_element_type3A_675 masked %broadcast_in_dim3A_677 : vector<16xi32>, vector<16xi1> -> vector<16xi32>
    %add3A_679 = vector.broadcast %add3A_553 : i32 to vector<16xi32>
    %add3A_680 = arith.addi %add3A_679, %masked_cumsum3A_678 : vector<16xi32>
    %sub3A_681 = arith.constant 1 : i32
    %sub3A_682 = vector.broadcast %sub3A_681 : i32 to vector<16xi32>
    %sub3A_683 = arith.subi %add3A_680, %sub3A_682 : vector<16xi32>
    %select_n3A_684 = arith.select %eq3A_674, %sub3A_683, %broadcast_in_dim3A_671 : vector<16xi1>, vector<16xi32>
    %slice3A_685 = vector.extract_strided_slice %masked_cumsum3A_678 {offsets = [15], sizes = [1], strides = [1]} : vector<16xi32> to vector<1xi32>
    %squeeze3A_686 = vector.extract %slice3A_685[0] : i32 from vector<1xi32>
    %add3A_687 = arith.addi %add3A_553, %squeeze3A_686 : i32
    %eq3A_688 = arith.constant 1 : i32
    %eq3A_689 = vector.broadcast %eq3A_688 : i32 to vector<16xi32>
    %eq3A_690 = arith.cmpi eq, %get3A_669, %eq3A_689 : vector<16xi32>
    %convert_element_type3A_691 = arith.extui %eq3A_690 : vector<16xi1> to vector<16xi32>
    %broadcast_in_dim3A_692 = arith.constant true
    %broadcast_in_dim3A_693 = vector.broadcast %broadcast_in_dim3A_692 : i1 to vector<16xi1>
    %masked_cumsum3A_694 = tpu.scan <sum>, %convert_element_type3A_691 masked %broadcast_in_dim3A_693 : vector<16xi32>, vector<16xi1> -> vector<16xi32>
    %add3A_695 = vector.broadcast %add3A_569 : i32 to vector<16xi32>
    %add3A_696 = arith.addi %add3A_695, %masked_cumsum3A_694 : vector<16xi32>
    %sub3A_697 = arith.constant 1 : i32
    %sub3A_698 = vector.broadcast %sub3A_697 : i32 to vector<16xi32>
    %sub3A_699 = arith.subi %add3A_696, %sub3A_698 : vector<16xi32>
    %select_n3A_700 = arith.select %eq3A_690, %sub3A_699, %select_n3A_684 : vector<16xi1>, vector<16xi32>
    %slice3A_701 = vector.extract_strided_slice %masked_cumsum3A_694 {offsets = [15], sizes = [1], strides = [1]} : vector<16xi32> to vector<1xi32>
    %squeeze3A_702 = vector.extract %slice3A_701[0] : i32 from vector<1xi32>
    %add3A_703 = arith.addi %add3A_569, %squeeze3A_702 : i32
    %eq3A_704 = arith.constant 2 : i32
    %eq3A_705 = vector.broadcast %eq3A_704 : i32 to vector<16xi32>
    %eq3A_706 = arith.cmpi eq, %get3A_669, %eq3A_705 : vector<16xi32>
    %convert_element_type3A_707 = arith.extui %eq3A_706 : vector<16xi1> to vector<16xi32>
    %broadcast_in_dim3A_708 = arith.constant true
    %broadcast_in_dim3A_709 = vector.broadcast %broadcast_in_dim3A_708 : i1 to vector<16xi1>
    %masked_cumsum3A_710 = tpu.scan <sum>, %convert_element_type3A_707 masked %broadcast_in_dim3A_709 : vector<16xi32>, vector<16xi1> -> vector<16xi32>
    %add3A_711 = vector.broadcast %add3A_585 : i32 to vector<16xi32>
    %add3A_712 = arith.addi %add3A_711, %masked_cumsum3A_710 : vector<16xi32>
    %sub3A_713 = arith.constant 1 : i32
    %sub3A_714 = vector.broadcast %sub3A_713 : i32 to vector<16xi32>
    %sub3A_715 = arith.subi %add3A_712, %sub3A_714 : vector<16xi32>
    %select_n3A_716 = arith.select %eq3A_706, %sub3A_715, %select_n3A_700 : vector<16xi1>, vector<16xi32>
    %slice3A_717 = vector.extract_strided_slice %masked_cumsum3A_710 {offsets = [15], sizes = [1], strides = [1]} : vector<16xi32> to vector<1xi32>
    %squeeze3A_718 = vector.extract %slice3A_717[0] : i32 from vector<1xi32>
    %add3A_719 = arith.addi %add3A_585, %squeeze3A_718 : i32
    %eq3A_720 = arith.constant 3 : i32
    %eq3A_721 = vector.broadcast %eq3A_720 : i32 to vector<16xi32>
    %eq3A_722 = arith.cmpi eq, %get3A_669, %eq3A_721 : vector<16xi32>
    %convert_element_type3A_723 = arith.extui %eq3A_722 : vector<16xi1> to vector<16xi32>
    %broadcast_in_dim3A_724 = arith.constant true
    %broadcast_in_dim3A_725 = vector.broadcast %broadcast_in_dim3A_724 : i1 to vector<16xi1>
    %masked_cumsum3A_726 = tpu.scan <sum>, %convert_element_type3A_723 masked %broadcast_in_dim3A_725 : vector<16xi32>, vector<16xi1> -> vector<16xi32>
    %add3A_727 = vector.broadcast %add3A_601 : i32 to vector<16xi32>
    %add3A_728 = arith.addi %add3A_727, %masked_cumsum3A_726 : vector<16xi32>
    %sub3A_729 = arith.constant 1 : i32
    %sub3A_730 = vector.broadcast %sub3A_729 : i32 to vector<16xi32>
    %sub3A_731 = arith.subi %add3A_728, %sub3A_730 : vector<16xi32>
    %select_n3A_732 = arith.select %eq3A_722, %sub3A_731, %select_n3A_716 : vector<16xi1>, vector<16xi32>
    %slice3A_733 = vector.extract_strided_slice %masked_cumsum3A_726 {offsets = [15], sizes = [1], strides = [1]} : vector<16xi32> to vector<1xi32>
    %squeeze3A_734 = vector.extract %slice3A_733[0] : i32 from vector<1xi32>
    %add3A_735 = arith.addi %add3A_601, %squeeze3A_734 : i32
    %eq3A_736 = arith.constant 4 : i32
    %eq3A_737 = vector.broadcast %eq3A_736 : i32 to vector<16xi32>
    %eq3A_738 = arith.cmpi eq, %get3A_669, %eq3A_737 : vector<16xi32>
    %convert_element_type3A_739 = arith.extui %eq3A_738 : vector<16xi1> to vector<16xi32>
    %broadcast_in_dim3A_740 = arith.constant true
    %broadcast_in_dim3A_741 = vector.broadcast %broadcast_in_dim3A_740 : i1 to vector<16xi1>
    %masked_cumsum3A_742 = tpu.scan <sum>, %convert_element_type3A_739 masked %broadcast_in_dim3A_741 : vector<16xi32>, vector<16xi1> -> vector<16xi32>
    %add3A_743 = vector.broadcast %add3A_617 : i32 to vector<16xi32>
    %add3A_744 = arith.addi %add3A_743, %masked_cumsum3A_742 : vector<16xi32>
    %sub3A_745 = arith.constant 1 : i32
    %sub3A_746 = vector.broadcast %sub3A_745 : i32 to vector<16xi32>
    %sub3A_747 = arith.subi %add3A_744, %sub3A_746 : vector<16xi32>
    %select_n3A_748 = arith.select %eq3A_738, %sub3A_747, %select_n3A_732 : vector<16xi1>, vector<16xi32>
    %slice3A_749 = vector.extract_strided_slice %masked_cumsum3A_742 {offsets = [15], sizes = [1], strides = [1]} : vector<16xi32> to vector<1xi32>
    %squeeze3A_750 = vector.extract %slice3A_749[0] : i32 from vector<1xi32>
    %add3A_751 = arith.addi %add3A_617, %squeeze3A_750 : i32
    %eq3A_752 = arith.constant 5 : i32
    %eq3A_753 = vector.broadcast %eq3A_752 : i32 to vector<16xi32>
    %eq3A_754 = arith.cmpi eq, %get3A_669, %eq3A_753 : vector<16xi32>
    %convert_element_type3A_755 = arith.extui %eq3A_754 : vector<16xi1> to vector<16xi32>
    %broadcast_in_dim3A_756 = arith.constant true
    %broadcast_in_dim3A_757 = vector.broadcast %broadcast_in_dim3A_756 : i1 to vector<16xi1>
    %masked_cumsum3A_758 = tpu.scan <sum>, %convert_element_type3A_755 masked %broadcast_in_dim3A_757 : vector<16xi32>, vector<16xi1> -> vector<16xi32>
    %add3A_759 = vector.broadcast %add3A_633 : i32 to vector<16xi32>
    %add3A_760 = arith.addi %add3A_759, %masked_cumsum3A_758 : vector<16xi32>
    %sub3A_761 = arith.constant 1 : i32
    %sub3A_762 = vector.broadcast %sub3A_761 : i32 to vector<16xi32>
    %sub3A_763 = arith.subi %add3A_760, %sub3A_762 : vector<16xi32>
    %select_n3A_764 = arith.select %eq3A_754, %sub3A_763, %select_n3A_748 : vector<16xi1>, vector<16xi32>
    %slice3A_765 = vector.extract_strided_slice %masked_cumsum3A_758 {offsets = [15], sizes = [1], strides = [1]} : vector<16xi32> to vector<1xi32>
    %squeeze3A_766 = vector.extract %slice3A_765[0] : i32 from vector<1xi32>
    %add3A_767 = arith.addi %add3A_633, %squeeze3A_766 : i32
    %eq3A_768 = arith.constant 6 : i32
    %eq3A_769 = vector.broadcast %eq3A_768 : i32 to vector<16xi32>
    %eq3A_770 = arith.cmpi eq, %get3A_669, %eq3A_769 : vector<16xi32>
    %convert_element_type3A_771 = arith.extui %eq3A_770 : vector<16xi1> to vector<16xi32>
    %broadcast_in_dim3A_772 = arith.constant true
    %broadcast_in_dim3A_773 = vector.broadcast %broadcast_in_dim3A_772 : i1 to vector<16xi1>
    %masked_cumsum3A_774 = tpu.scan <sum>, %convert_element_type3A_771 masked %broadcast_in_dim3A_773 : vector<16xi32>, vector<16xi1> -> vector<16xi32>
    %add3A_775 = vector.broadcast %add3A_649 : i32 to vector<16xi32>
    %add3A_776 = arith.addi %add3A_775, %masked_cumsum3A_774 : vector<16xi32>
    %sub3A_777 = arith.constant 1 : i32
    %sub3A_778 = vector.broadcast %sub3A_777 : i32 to vector<16xi32>
    %sub3A_779 = arith.subi %add3A_776, %sub3A_778 : vector<16xi32>
    %select_n3A_780 = arith.select %eq3A_770, %sub3A_779, %select_n3A_764 : vector<16xi1>, vector<16xi32>
    %slice3A_781 = vector.extract_strided_slice %masked_cumsum3A_774 {offsets = [15], sizes = [1], strides = [1]} : vector<16xi32> to vector<1xi32>
    %squeeze3A_782 = vector.extract %slice3A_781[0] : i32 from vector<1xi32>
    %add3A_783 = arith.addi %add3A_649, %squeeze3A_782 : i32
    %eq3A_784 = arith.constant 7 : i32
    %eq3A_785 = vector.broadcast %eq3A_784 : i32 to vector<16xi32>
    %eq3A_786 = arith.cmpi eq, %get3A_669, %eq3A_785 : vector<16xi32>
    %convert_element_type3A_787 = arith.extui %eq3A_786 : vector<16xi1> to vector<16xi32>
    %broadcast_in_dim3A_788 = arith.constant true
    %broadcast_in_dim3A_789 = vector.broadcast %broadcast_in_dim3A_788 : i1 to vector<16xi1>
    %masked_cumsum3A_790 = tpu.scan <sum>, %convert_element_type3A_787 masked %broadcast_in_dim3A_789 : vector<16xi32>, vector<16xi1> -> vector<16xi32>
    %add3A_791 = vector.broadcast %add3A_665 : i32 to vector<16xi32>
    %add3A_792 = arith.addi %add3A_791, %masked_cumsum3A_790 : vector<16xi32>
    %sub3A_793 = arith.constant 1 : i32
    %sub3A_794 = vector.broadcast %sub3A_793 : i32 to vector<16xi32>
    %sub3A_795 = arith.subi %add3A_792, %sub3A_794 : vector<16xi32>
    %select_n3A_796 = arith.select %eq3A_786, %sub3A_795, %select_n3A_780 : vector<16xi1>, vector<16xi32>
    %slice3A_797 = vector.extract_strided_slice %masked_cumsum3A_790 {offsets = [15], sizes = [1], strides = [1]} : vector<16xi32> to vector<1xi32>
    %squeeze3A_798 = vector.extract %slice3A_797[0] : i32 from vector<1xi32>
    %add3A_799 = arith.addi %add3A_665, %squeeze3A_798 : i32
    %swap3A_800 = arith.constant 32 : index
    %swap3A_801 = tpu.vector_load %arg11[%swap3A_800] {strides = array<i32>} : memref<64xi32, #tpu.memory_space<vmem>>, vector<16xi32>,
    tpu.vector_store %arg11[%swap3A_800], %select_n3A_796 {strides = array<i32>} : memref<64xi32, #tpu.memory_space<vmem>>, vector<16xi32>,
    %get3A_802 = arith.constant 48 : index
    %get3A_803 = tpu.vector_load %arg10[%get3A_802] {strides = array<i32>} : memref<64xi32, #tpu.memory_space<vmem>>, vector<16xi32>,
    %broadcast_in_dim3A_804 = arith.constant 0 : i32
    %broadcast_in_dim3A_805 = vector.broadcast %broadcast_in_dim3A_804 : i32 to vector<16xi32>
    %eq3A_806 = arith.constant 0 : i32
    %eq3A_807 = vector.broadcast %eq3A_806 : i32 to vector<16xi32>
    %eq3A_808 = arith.cmpi eq, %get3A_803, %eq3A_807 : vector<16xi32>
    %convert_element_type3A_809 = arith.extui %eq3A_808 : vector<16xi1> to vector<16xi32>
    %broadcast_in_dim3A_810 = arith.constant true
    %broadcast_in_dim3A_811 = vector.broadcast %broadcast_in_dim3A_810 : i1 to vector<16xi1>
    %masked_cumsum3A_812 = tpu.scan <sum>, %convert_element_type3A_809 masked %broadcast_in_dim3A_811 : vector<16xi32>, vector<16xi1> -> vector<16xi32>
    %add3A_813 = vector.broadcast %add3A_687 : i32 to vector<16xi32>
    %add3A_814 = arith.addi %add3A_813, %masked_cumsum3A_812 : vector<16xi32>
    %sub3A_815 = arith.constant 1 : i32
    %sub3A_816 = vector.broadcast %sub3A_815 : i32 to vector<16xi32>
    %sub3A_817 = arith.subi %add3A_814, %sub3A_816 : vector<16xi32>
    %select_n3A_818 = arith.select %eq3A_808, %sub3A_817, %broadcast_in_dim3A_805 : vector<16xi1>, vector<16xi32>
    %slice3A_819 = vector.extract_strided_slice %masked_cumsum3A_812 {offsets = [15], sizes = [1], strides = [1]} : vector<16xi32> to vector<1xi32>
    %squeeze3A_820 = vector.extract %slice3A_819[0] : i32 from vector<1xi32>
    %add3A_821 = arith.addi %add3A_687, %squeeze3A_820 : i32
    %eq3A_822 = arith.constant 1 : i32
    %eq3A_823 = vector.broadcast %eq3A_822 : i32 to vector<16xi32>
    %eq3A_824 = arith.cmpi eq, %get3A_803, %eq3A_823 : vector<16xi32>
    %convert_element_type3A_825 = arith.extui %eq3A_824 : vector<16xi1> to vector<16xi32>
    %broadcast_in_dim3A_826 = arith.constant true
    %broadcast_in_dim3A_827 = vector.broadcast %broadcast_in_dim3A_826 : i1 to vector<16xi1>
    %masked_cumsum3A_828 = tpu.scan <sum>, %convert_element_type3A_825 masked %broadcast_in_dim3A_827 : vector<16xi32>, vector<16xi1> -> vector<16xi32>
    %add3A_829 = vector.broadcast %add3A_703 : i32 to vector<16xi32>
    %add3A_830 = arith.addi %add3A_829, %masked_cumsum3A_828 : vector<16xi32>
    %sub3A_831 = arith.constant 1 : i32
    %sub3A_832 = vector.broadcast %sub3A_831 : i32 to vector<16xi32>
    %sub3A_833 = arith.subi %add3A_830, %sub3A_832 : vector<16xi32>
    %select_n3A_834 = arith.select %eq3A_824, %sub3A_833, %select_n3A_818 : vector<16xi1>, vector<16xi32>
    %slice3A_835 = vector.extract_strided_slice %masked_cumsum3A_828 {offsets = [15], sizes = [1], strides = [1]} : vector<16xi32> to vector<1xi32>
    %squeeze3A_836 = vector.extract %slice3A_835[0] : i32 from vector<1xi32>
    %add3A_837 = arith.addi %add3A_703, %squeeze3A_836 : i32
    %eq3A_838 = arith.constant 2 : i32
    %eq3A_839 = vector.broadcast %eq3A_838 : i32 to vector<16xi32>
    %eq3A_840 = arith.cmpi eq, %get3A_803, %eq3A_839 : vector<16xi32>
    %convert_element_type3A_841 = arith.extui %eq3A_840 : vector<16xi1> to vector<16xi32>
    %broadcast_in_dim3A_842 = arith.constant true
    %broadcast_in_dim3A_843 = vector.broadcast %broadcast_in_dim3A_842 : i1 to vector<16xi1>
    %masked_cumsum3A_844 = tpu.scan <sum>, %convert_element_type3A_841 masked %broadcast_in_dim3A_843 : vector<16xi32>, vector<16xi1> -> vector<16xi32>
    %add3A_845 = vector.broadcast %add3A_719 : i32 to vector<16xi32>
    %add3A_846 = arith.addi %add3A_845, %masked_cumsum3A_844 : vector<16xi32>
    %sub3A_847 = arith.constant 1 : i32
    %sub3A_848 = vector.broadcast %sub3A_847 : i32 to vector<16xi32>
    %sub3A_849 = arith.subi %add3A_846, %sub3A_848 : vector<16xi32>
    %select_n3A_850 = arith.select %eq3A_840, %sub3A_849, %select_n3A_834 : vector<16xi1>, vector<16xi32>
    %slice3A_851 = vector.extract_strided_slice %masked_cumsum3A_844 {offsets = [15], sizes = [1], strides = [1]} : vector<16xi32> to vector<1xi32>
    %squeeze3A_852 = vector.extract %slice3A_851[0] : i32 from vector<1xi32>
    %add3A_853 = arith.addi %add3A_719, %squeeze3A_852 : i32
    %eq3A_854 = arith.constant 3 : i32
    %eq3A_855 = vector.broadcast %eq3A_854 : i32 to vector<16xi32>
    %eq3A_856 = arith.cmpi eq, %get3A_803, %eq3A_855 : vector<16xi32>
    %convert_element_type3A_857 = arith.extui %eq3A_856 : vector<16xi1> to vector<16xi32>
    %broadcast_in_dim3A_858 = arith.constant true
    %broadcast_in_dim3A_859 = vector.broadcast %broadcast_in_dim3A_858 : i1 to vector<16xi1>
    %masked_cumsum3A_860 = tpu.scan <sum>, %convert_element_type3A_857 masked %broadcast_in_dim3A_859 : vector<16xi32>, vector<16xi1> -> vector<16xi32>
    %add3A_861 = vector.broadcast %add3A_735 : i32 to vector<16xi32>
    %add3A_862 = arith.addi %add3A_861, %masked_cumsum3A_860 : vector<16xi32>
    %sub3A_863 = arith.constant 1 : i32
    %sub3A_864 = vector.broadcast %sub3A_863 : i32 to vector<16xi32>
    %sub3A_865 = arith.subi %add3A_862, %sub3A_864 : vector<16xi32>
    %select_n3A_866 = arith.select %eq3A_856, %sub3A_865, %select_n3A_850 : vector<16xi1>, vector<16xi32>
    %slice3A_867 = vector.extract_strided_slice %masked_cumsum3A_860 {offsets = [15], sizes = [1], strides = [1]} : vector<16xi32> to vector<1xi32>
    %squeeze3A_868 = vector.extract %slice3A_867[0] : i32 from vector<1xi32>
    %add3A_869 = arith.addi %add3A_735, %squeeze3A_868 : i32
    %eq3A_870 = arith.constant 4 : i32
    %eq3A_871 = vector.broadcast %eq3A_870 : i32 to vector<16xi32>
    %eq3A_872 = arith.cmpi eq, %get3A_803, %eq3A_871 : vector<16xi32>
    %convert_element_type3A_873 = arith.extui %eq3A_872 : vector<16xi1> to vector<16xi32>
    %broadcast_in_dim3A_874 = arith.constant true
    %broadcast_in_dim3A_875 = vector.broadcast %broadcast_in_dim3A_874 : i1 to vector<16xi1>
    %masked_cumsum3A_876 = tpu.scan <sum>, %convert_element_type3A_873 masked %broadcast_in_dim3A_875 : vector<16xi32>, vector<16xi1> -> vector<16xi32>
    %add3A_877 = vector.broadcast %add3A_751 : i32 to vector<16xi32>
    %add3A_878 = arith.addi %add3A_877, %masked_cumsum3A_876 : vector<16xi32>
    %sub3A_879 = arith.constant 1 : i32
    %sub3A_880 = vector.broadcast %sub3A_879 : i32 to vector<16xi32>
    %sub3A_881 = arith.subi %add3A_878, %sub3A_880 : vector<16xi32>
    %select_n3A_882 = arith.select %eq3A_872, %sub3A_881, %select_n3A_866 : vector<16xi1>, vector<16xi32>
    %slice3A_883 = vector.extract_strided_slice %masked_cumsum3A_876 {offsets = [15], sizes = [1], strides = [1]} : vector<16xi32> to vector<1xi32>
    %squeeze3A_884 = vector.extract %slice3A_883[0] : i32 from vector<1xi32>
    %add3A_885 = arith.addi %add3A_751, %squeeze3A_884 : i32
    %eq3A_886 = arith.constant 5 : i32
    %eq3A_887 = vector.broadcast %eq3A_886 : i32 to vector<16xi32>
    %eq3A_888 = arith.cmpi eq, %get3A_803, %eq3A_887 : vector<16xi32>
    %convert_element_type3A_889 = arith.extui %eq3A_888 : vector<16xi1> to vector<16xi32>
    %broadcast_in_dim3A_890 = arith.constant true
    %broadcast_in_dim3A_891 = vector.broadcast %broadcast_in_dim3A_890 : i1 to vector<16xi1>
    %masked_cumsum3A_892 = tpu.scan <sum>, %convert_element_type3A_889 masked %broadcast_in_dim3A_891 : vector<16xi32>, vector<16xi1> -> vector<16xi32>
    %add3A_893 = vector.broadcast %add3A_767 : i32 to vector<16xi32>
    %add3A_894 = arith.addi %add3A_893, %masked_cumsum3A_892 : vector<16xi32>
    %sub3A_895 = arith.constant 1 : i32
    %sub3A_896 = vector.broadcast %sub3A_895 : i32 to vector<16xi32>
    %sub3A_897 = arith.subi %add3A_894, %sub3A_896 : vector<16xi32>
    %select_n3A_898 = arith.select %eq3A_888, %sub3A_897, %select_n3A_882 : vector<16xi1>, vector<16xi32>
    %slice3A_899 = vector.extract_strided_slice %masked_cumsum3A_892 {offsets = [15], sizes = [1], strides = [1]} : vector<16xi32> to vector<1xi32>
    %squeeze3A_900 = vector.extract %slice3A_899[0] : i32 from vector<1xi32>
    %add3A_901 = arith.addi %add3A_767, %squeeze3A_900 : i32
    %eq3A_902 = arith.constant 6 : i32
    %eq3A_903 = vector.broadcast %eq3A_902 : i32 to vector<16xi32>
    %eq3A_904 = arith.cmpi eq, %get3A_803, %eq3A_903 : vector<16xi32>
    %convert_element_type3A_905 = arith.extui %eq3A_904 : vector<16xi1> to vector<16xi32>
    %broadcast_in_dim3A_906 = arith.constant true
    %broadcast_in_dim3A_907 = vector.broadcast %broadcast_in_dim3A_906 : i1 to vector<16xi1>
    %masked_cumsum3A_908 = tpu.scan <sum>, %convert_element_type3A_905 masked %broadcast_in_dim3A_907 : vector<16xi32>, vector<16xi1> -> vector<16xi32>
    %add3A_909 = vector.broadcast %add3A_783 : i32 to vector<16xi32>
    %add3A_910 = arith.addi %add3A_909, %masked_cumsum3A_908 : vector<16xi32>
    %sub3A_911 = arith.constant 1 : i32
    %sub3A_912 = vector.broadcast %sub3A_911 : i32 to vector<16xi32>
    %sub3A_913 = arith.subi %add3A_910, %sub3A_912 : vector<16xi32>
    %select_n3A_914 = arith.select %eq3A_904, %sub3A_913, %select_n3A_898 : vector<16xi1>, vector<16xi32>
    %slice3A_915 = vector.extract_strided_slice %masked_cumsum3A_908 {offsets = [15], sizes = [1], strides = [1]} : vector<16xi32> to vector<1xi32>
    %squeeze3A_916 = vector.extract %slice3A_915[0] : i32 from vector<1xi32>
    %add3A_917 = arith.addi %add3A_783, %squeeze3A_916 : i32
    %eq3A_918 = arith.constant 7 : i32
    %eq3A_919 = vector.broadcast %eq3A_918 : i32 to vector<16xi32>
    %eq3A_920 = arith.cmpi eq, %get3A_803, %eq3A_919 : vector<16xi32>
    %convert_element_type3A_921 = arith.extui %eq3A_920 : vector<16xi1> to vector<16xi32>
    %broadcast_in_dim3A_922 = arith.constant true
    %broadcast_in_dim3A_923 = vector.broadcast %broadcast_in_dim3A_922 : i1 to vector<16xi1>
    %masked_cumsum3A_924 = tpu.scan <sum>, %convert_element_type3A_921 masked %broadcast_in_dim3A_923 : vector<16xi32>, vector<16xi1> -> vector<16xi32>
    %add3A_925 = vector.broadcast %add3A_799 : i32 to vector<16xi32>
    %add3A_926 = arith.addi %add3A_925, %masked_cumsum3A_924 : vector<16xi32>
    %sub3A_927 = arith.constant 1 : i32
    %sub3A_928 = vector.broadcast %sub3A_927 : i32 to vector<16xi32>
    %sub3A_929 = arith.subi %add3A_926, %sub3A_928 : vector<16xi32>
    %select_n3A_930 = arith.select %eq3A_920, %sub3A_929, %select_n3A_914 : vector<16xi1>, vector<16xi32>
    %slice3A_931 = vector.extract_strided_slice %masked_cumsum3A_924 {offsets = [15], sizes = [1], strides = [1]} : vector<16xi32> to vector<1xi32>
    %squeeze3A_932 = vector.extract %slice3A_931[0] : i32 from vector<1xi32>
    %add3A_933 = arith.addi %add3A_799, %squeeze3A_932 : i32
    %swap3A_934 = arith.constant 48 : index
    %swap3A_935 = tpu.vector_load %arg11[%swap3A_934] {strides = array<i32>} : memref<64xi32, #tpu.memory_space<vmem>>, vector<16xi32>,
    tpu.vector_store %arg11[%swap3A_934], %select_n3A_930 {strides = array<i32>} : memref<64xi32, #tpu.memory_space<vmem>>, vector<16xi32>,
    %mul3A_936 = arith.constant 64 : i32
    %mul3A_937 = arith.muli %add3A, %mul3A_936 : i32
    "tpu.region"() ({
      %run_scoped3A_948 = tpu.sem_alloc : memref<!tpu.dma_semaphore, #tpu.memory_space<semaphore_mem>>
      %dma_start3A_949 = tpu.memref_slice %arg5[%mul3A_937] : memref<2048xi32, #tpu.memory_space<hbm>> -> memref<64xi32, #tpu.memory_space<hbm>>
      %dma_start3A_950 = tpu.memref_slice %arg5[%mul3A_937] : memref<2048xi32, #tpu.memory_space<hbm>> -> memref<64xi32, #tpu.memory_space<hbm>>
      tpu.enqueue_dma source(%arg11 : memref<64xi32, #tpu.memory_space<vmem>>) target(%dma_start3A_950 : memref<64xi32, #tpu.memory_space<hbm>>) target_semaphore(%run_scoped3A_948 : memref<!tpu.dma_semaphore, #tpu.memory_space<semaphore_mem>>)
      %dma_wait3A_951 = tpu.memref_slice %arg5[%mul3A_937] : memref<2048xi32, #tpu.memory_space<hbm>> -> memref<64xi32, #tpu.memory_space<hbm>>
      %dma_wait3A_952 = tpu.memref_slice %arg5[%mul3A_937] : memref<2048xi32, #tpu.memory_space<hbm>> -> memref<64xi32, #tpu.memory_space<hbm>>
      tpu.wait_dma2 semaphore(%run_scoped3A_948 : memref<!tpu.dma_semaphore, #tpu.memory_space<semaphore_mem>>) src(%arg11 : memref<64xi32, #tpu.memory_space<vmem>>) dst(%dma_wait3A_952 : memref<64xi32, #tpu.memory_space<hbm>>)
      tpu.yield
    }) : () -> ()
    %mul3A_938 = arith.constant 64 : i32
    %mul3A_939 = arith.muli %add3A, %mul3A_938 : i32
    %run_scoped3A = arith.constant 0 : i32
    "tpu.region"() ({
      %run_scoped3A_948 = tpu.sem_alloc : memref<!tpu.dma_semaphore, #tpu.memory_space<semaphore_mem>>
      %dma_start3A_949 = arith.constant 0 : i32
      %dma_start3A_950 = tpu.memref_slice %arg3[%run_scoped3A, %mul3A_939, %dma_start3A_949] : memref<1x2048x768xf32, #tpu.memory_space<hbm>> -> memref<1x64x768xf32, #tpu.memory_space<hbm>>
      %dma_start3A_951 = tpu.memref_squeeze %dma_start3A_950 : memref<1x64x768xf32, #tpu.memory_space<hbm>> -> memref<64x768xf32, #tpu.memory_space<hbm>>
      %dma_start3A_952 = arith.constant 0 : i32
      %dma_start3A_953 = tpu.memref_slice %arg3[%run_scoped3A, %mul3A_939, %dma_start3A_952] : memref<1x2048x768xf32, #tpu.memory_space<hbm>> -> memref<1x64x768xf32, #tpu.memory_space<hbm>>
      %dma_start3A_954 = tpu.memref_squeeze %dma_start3A_953 : memref<1x64x768xf32, #tpu.memory_space<hbm>> -> memref<64x768xf32, #tpu.memory_space<hbm>>
      tpu.enqueue_dma source(%dma_start3A_954 : memref<64x768xf32, #tpu.memory_space<hbm>>) target(%arg12 : memref<64x768xf32, #tpu.memory_space<vmem>>) target_semaphore(%run_scoped3A_948 : memref<!tpu.dma_semaphore, #tpu.memory_space<semaphore_mem>>)
      %dma_wait3A_955 = arith.constant 0 : i32
      %dma_wait3A_956 = tpu.memref_slice %arg3[%run_scoped3A, %mul3A_939, %dma_wait3A_955] : memref<1x2048x768xf32, #tpu.memory_space<hbm>> -> memref<1x64x768xf32, #tpu.memory_space<hbm>>
      %dma_wait3A_957 = tpu.memref_squeeze %dma_wait3A_956 : memref<1x64x768xf32, #tpu.memory_space<hbm>> -> memref<64x768xf32, #tpu.memory_space<hbm>>
      %dma_wait3A_958 = arith.constant 0 : i32
      %dma_wait3A_959 = tpu.memref_slice %arg3[%run_scoped3A, %mul3A_939, %dma_wait3A_958] : memref<1x2048x768xf32, #tpu.memory_space<hbm>> -> memref<1x64x768xf32, #tpu.memory_space<hbm>>
      %dma_wait3A_960 = tpu.memref_squeeze %dma_wait3A_959 : memref<1x64x768xf32, #tpu.memory_space<hbm>> -> memref<64x768xf32, #tpu.memory_space<hbm>>
      tpu.wait_dma2 semaphore(%run_scoped3A_948 : memref<!tpu.dma_semaphore, #tpu.memory_space<semaphore_mem>>) src(%dma_wait3A_960 : memref<64x768xf32, #tpu.memory_space<hbm>>) dst(%arg12 : memref<64x768xf32, #tpu.memory_space<vmem>>)
      tpu.yield
    }) : () -> ()
    %dma_start3A = arith.constant 0 : i32
    %dma_start3A_940 = arith.constant 0 : i32
    %dma_start3A_941 = tpu.memref_slice %arg6[%dma_start3A, %dma_start3A_940] : memref<3072x768xf32, #tpu.memory_space<hbm>> -> memref<3072x768xf32, #tpu.memory_space<hbm>>
    tpu.enqueue_indirect_dma source(%arg12 : memref<64x768xf32, #tpu.memory_space<vmem>>) target(%dma_start3A_941 : memref<3072x768xf32, #tpu.memory_space<hbm>>) offsets(%arg11 : memref<64xi32, #tpu.memory_space<vmem>>) semaphore(%arg15 : memref<!tpu.dma_semaphore, #tpu.memory_space<semaphore_mem>>)
    %dma_wait3A = arith.constant 0 : i32
    %dma_wait3A_942 = arith.constant 0 : i32
    %dma_wait3A_943 = tpu.memref_slice %arg6[%dma_wait3A, %dma_wait3A_942] : memref<3072x768xf32, #tpu.memory_space<hbm>> -> memref<3072x768xf32, #tpu.memory_space<hbm>>
    tpu.wait_indirect_dma semaphore(%arg15 : memref<!tpu.dma_semaphore, #tpu.memory_space<semaphore_mem>>) src(%arg12 : memref<64x768xf32, #tpu.memory_space<vmem>>) dst(%dma_wait3A_943 : memref<3072x768xf32, #tpu.memory_space<hbm>>)
    %eq3A_944 = arith.constant 0 : i32
    %eq3A_945 = arith.cmpi eq, %add3A, %eq3A_944 : i32
    %convert_element_type3A_946 = arith.extui %eq3A_945 : i1 to i32
    %cond3A = arith.constant 0 : i32
    %cond3A_947 = arith.cmpi ne, %convert_element_type3A_946, %cond3A : i32
    scf.if %cond3A_947 {
      %slice3A_948 = vector.extract_strided_slice %masked_cumsum3A {offsets = [7], sizes = [1], strides = [1]} : vector<16xi32> to vector<1xi32>
      %squeeze3A_949 = vector.extract %slice3A_948[0] : i32 from vector<1xi32>
      %iota3A = tpu.iota {dimensions = array<i32: 0>} : vector<16xi32>
      %gt3A = arith.constant 0 : i32
      %gt3A_950 = vector.broadcast %gt3A : i32 to vector<16xi32>
      %gt3A_951 = arith.cmpi sgt, %select_n3A_381, %gt3A_950 : vector<16xi32>
      %jit3A_952 = arith.constant 0 : i32
      %broadcast_in_dim3A_953 = vector.broadcast %jit3A_952 : i32 to vector<16xi32>
      %select_n3A_954 = arith.select %gt3A_951, %iota3A, %broadcast_in_dim3A_953 : vector<16xi1>, vector<16xi32>
      %reduce_max3A = arith.constant true
      %reduce_max3A_955 = vector.broadcast %reduce_max3A : i1 to vector<16xi1>
      %reduce_max3A_956 = arith.constant -2147483648 : i32
      %reduce_max3A_957 = vector.broadcast %reduce_max3A_956 : i32 to vector<16xi32>
      %reduce_max3A_958 = arith.xori %select_n3A_954, %reduce_max3A_957 : vector<16xi32>
      %reduce_max3A_959 = tpu.scan <max>, %reduce_max3A_958 masked %reduce_max3A_955 : vector<16xi32>, vector<16xi1> -> vector<16xi32>
      %reduce_max3A_960 = arith.xori %reduce_max3A_959, %reduce_max3A_957 : vector<16xi32>
      %reduce_max3A_961 = vector.extract %reduce_max3A_960[15] : i32 from vector<16xi32>
      %slice3A_962 = vector.extract_strided_slice %masked_cumsum3A {offsets = [0], sizes = [1], strides = [1]} : vector<16xi32> to vector<1xi32>
      %squeeze3A_963 = vector.extract %slice3A_962[0] : i32 from vector<1xi32>
      %slice3A_964 = vector.extract_strided_slice %masked_cumsum3A {offsets = [1], sizes = [1], strides = [1]} : vector<16xi32> to vector<1xi32>
      %squeeze3A_965 = vector.extract %slice3A_964[0] : i32 from vector<1xi32>
      %slice3A_966 = vector.extract_strided_slice %masked_cumsum3A {offsets = [2], sizes = [1], strides = [1]} : vector<16xi32> to vector<1xi32>
      %squeeze3A_967 = vector.extract %slice3A_966[0] : i32 from vector<1xi32>
      %slice3A_968 = vector.extract_strided_slice %masked_cumsum3A {offsets = [3], sizes = [1], strides = [1]} : vector<16xi32> to vector<1xi32>
      %squeeze3A_969 = vector.extract %slice3A_968[0] : i32 from vector<1xi32>
      %slice3A_970 = vector.extract_strided_slice %masked_cumsum3A {offsets = [4], sizes = [1], strides = [1]} : vector<16xi32> to vector<1xi32>
      %squeeze3A_971 = vector.extract %slice3A_970[0] : i32 from vector<1xi32>
      %slice3A_972 = vector.extract_strided_slice %masked_cumsum3A {offsets = [5], sizes = [1], strides = [1]} : vector<16xi32> to vector<1xi32>
      %squeeze3A_973 = vector.extract %slice3A_972[0] : i32 from vector<1xi32>
      %slice3A_974 = vector.extract_strided_slice %masked_cumsum3A {offsets = [6], sizes = [1], strides = [1]} : vector<16xi32> to vector<1xi32>
      %squeeze3A_975 = vector.extract %slice3A_974[0] : i32 from vector<1xi32>
      %slice3A_976 = vector.extract_strided_slice %masked_cumsum3A {offsets = [7], sizes = [1], strides = [1]} : vector<16xi32> to vector<1xi32>
      %squeeze3A_977 = vector.extract %slice3A_976[0] : i32 from vector<1xi32>
      %add3A_978 = arith.constant 0 : i32
      %add3A_979 = vector.broadcast %add3A_978 : i32 to vector<16xi32>
      %add3A_980 = arith.addi %iota3A, %add3A_979 : vector<16xi32>
      %broadcast_in_dim3A_981 = arith.constant 0 : i32
      %broadcast_in_dim3A_982 = vector.broadcast %broadcast_in_dim3A_981 : i32 to vector<16xi32>
      %ge3A = vector.broadcast %squeeze3A_963 : i32 to vector<16xi32>
      %ge3A_983 = arith.cmpi sge, %add3A_980, %ge3A : vector<16xi32>
      %convert_element_type3A_984 = arith.extui %ge3A_983 : vector<16xi1> to vector<16xi32>
      %add3A_985 = arith.addi %broadcast_in_dim3A_982, %convert_element_type3A_984 : vector<16xi32>
      %ge3A_986 = vector.broadcast %squeeze3A_965 : i32 to vector<16xi32>
      %ge3A_987 = arith.cmpi sge, %add3A_980, %ge3A_986 : vector<16xi32>
      %convert_element_type3A_988 = arith.extui %ge3A_987 : vector<16xi1> to vector<16xi32>
      %add3A_989 = arith.addi %add3A_985, %convert_element_type3A_988 : vector<16xi32>
      %ge3A_990 = vector.broadcast %squeeze3A_967 : i32 to vector<16xi32>
      %ge3A_991 = arith.cmpi sge, %add3A_980, %ge3A_990 : vector<16xi32>
      %convert_element_type3A_992 = arith.extui %ge3A_991 : vector<16xi1> to vector<16xi32>
      %add3A_993 = arith.addi %add3A_989, %convert_element_type3A_992 : vector<16xi32>
      %ge3A_994 = vector.broadcast %squeeze3A_969 : i32 to vector<16xi32>
      %ge3A_995 = arith.cmpi sge, %add3A_980, %ge3A_994 : vector<16xi32>
      %convert_element_type3A_996 = arith.extui %ge3A_995 : vector<16xi1> to vector<16xi32>
      %add3A_997 = arith.addi %add3A_993, %convert_element_type3A_996 : vector<16xi32>
      %ge3A_998 = vector.broadcast %squeeze3A_971 : i32 to vector<16xi32>
      %ge3A_999 = arith.cmpi sge, %add3A_980, %ge3A_998 : vector<16xi32>
      %convert_element_type3A_1000 = arith.extui %ge3A_999 : vector<16xi1> to vector<16xi32>
      %add3A_1001 = arith.addi %add3A_997, %convert_element_type3A_1000 : vector<16xi32>
      %ge3A_1002 = vector.broadcast %squeeze3A_973 : i32 to vector<16xi32>
      %ge3A_1003 = arith.cmpi sge, %add3A_980, %ge3A_1002 : vector<16xi32>
      %convert_element_type3A_1004 = arith.extui %ge3A_1003 : vector<16xi1> to vector<16xi32>
      %add3A_1005 = arith.addi %add3A_1001, %convert_element_type3A_1004 : vector<16xi32>
      %ge3A_1006 = vector.broadcast %squeeze3A_975 : i32 to vector<16xi32>
      %ge3A_1007 = arith.cmpi sge, %add3A_980, %ge3A_1006 : vector<16xi32>
      %convert_element_type3A_1008 = arith.extui %ge3A_1007 : vector<16xi1> to vector<16xi32>
      %add3A_1009 = arith.addi %add3A_1005, %convert_element_type3A_1008 : vector<16xi32>
      %ge3A_1010 = vector.broadcast %squeeze3A_977 : i32 to vector<16xi32>
      %ge3A_1011 = arith.cmpi sge, %add3A_980, %ge3A_1010 : vector<16xi32>
      %convert_element_type3A_1012 = arith.extui %ge3A_1011 : vector<16xi1> to vector<16xi32>
      %add3A_1013 = arith.addi %add3A_1009, %convert_element_type3A_1012 : vector<16xi32>
      %gt3A_1014 = arith.constant 7 : i32
      %gt3A_1015 = vector.broadcast %gt3A_1014 : i32 to vector<16xi32>
      %gt3A_1016 = arith.cmpi sgt, %add3A_1013, %gt3A_1015 : vector<16xi32>
      %broadcast_in_dim3A_1017 = vector.broadcast %reduce_max3A_961 : i32 to vector<16xi32>
      %select_n3A_1018 = arith.select %gt3A_1016, %broadcast_in_dim3A_1017, %add3A_1013 : vector<16xi1>, vector<16xi32>
      %swap3A_1019 = arith.constant 0 : index
      %swap3A_1020 = tpu.vector_load %arg13[%swap3A_1019] {strides = array<i32>} : memref<32xi32, #tpu.memory_space<vmem>>, vector<16xi32>,
      tpu.vector_store %arg13[%swap3A_1019], %select_n3A_1018 {strides = array<i32>} : memref<32xi32, #tpu.memory_space<vmem>>, vector<16xi32>,
      %lt3A_1021 = vector.broadcast %squeeze3A_949 : i32 to vector<16xi32>
      %lt3A_1022 = arith.cmpi slt, %add3A_980, %lt3A_1021 : vector<16xi32>
      %convert_element_type3A_1023 = arith.extui %lt3A_1022 : vector<16xi1> to vector<16xi32>
      %swap3A_1024 = arith.constant 0 : index
      %swap3A_1025 = tpu.vector_load %arg14[%swap3A_1024] {strides = array<i32>} : memref<32xi32, #tpu.memory_space<vmem>>, vector<16xi32>,
      tpu.vector_store %arg14[%swap3A_1024], %convert_element_type3A_1023 {strides = array<i32>} : memref<32xi32, #tpu.memory_space<vmem>>, vector<16xi32>,
      %add3A_1026 = arith.constant 16 : i32
      %add3A_1027 = vector.broadcast %add3A_1026 : i32 to vector<16xi32>
      %add3A_1028 = arith.addi %iota3A, %add3A_1027 : vector<16xi32>
      %broadcast_in_dim3A_1029 = arith.constant 0 : i32
      %broadcast_in_dim3A_1030 = vector.broadcast %broadcast_in_dim3A_1029 : i32 to vector<16xi32>
      %ge3A_1031 = vector.broadcast %squeeze3A_963 : i32 to vector<16xi32>
      %ge3A_1032 = arith.cmpi sge, %add3A_1028, %ge3A_1031 : vector<16xi32>
      %convert_element_type3A_1033 = arith.extui %ge3A_1032 : vector<16xi1> to vector<16xi32>
      %add3A_1034 = arith.addi %broadcast_in_dim3A_1030, %convert_element_type3A_1033 : vector<16xi32>
      %ge3A_1035 = vector.broadcast %squeeze3A_965 : i32 to vector<16xi32>
      %ge3A_1036 = arith.cmpi sge, %add3A_1028, %ge3A_1035 : vector<16xi32>
      %convert_element_type3A_1037 = arith.extui %ge3A_1036 : vector<16xi1> to vector<16xi32>
      %add3A_1038 = arith.addi %add3A_1034, %convert_element_type3A_1037 : vector<16xi32>
      %ge3A_1039 = vector.broadcast %squeeze3A_967 : i32 to vector<16xi32>
      %ge3A_1040 = arith.cmpi sge, %add3A_1028, %ge3A_1039 : vector<16xi32>
      %convert_element_type3A_1041 = arith.extui %ge3A_1040 : vector<16xi1> to vector<16xi32>
      %add3A_1042 = arith.addi %add3A_1038, %convert_element_type3A_1041 : vector<16xi32>
      %ge3A_1043 = vector.broadcast %squeeze3A_969 : i32 to vector<16xi32>
      %ge3A_1044 = arith.cmpi sge, %add3A_1028, %ge3A_1043 : vector<16xi32>
      %convert_element_type3A_1045 = arith.extui %ge3A_1044 : vector<16xi1> to vector<16xi32>
      %add3A_1046 = arith.addi %add3A_1042, %convert_element_type3A_1045 : vector<16xi32>
      %ge3A_1047 = vector.broadcast %squeeze3A_971 : i32 to vector<16xi32>
      %ge3A_1048 = arith.cmpi sge, %add3A_1028, %ge3A_1047 : vector<16xi32>
      %convert_element_type3A_1049 = arith.extui %ge3A_1048 : vector<16xi1> to vector<16xi32>
      %add3A_1050 = arith.addi %add3A_1046, %convert_element_type3A_1049 : vector<16xi32>
      %ge3A_1051 = vector.broadcast %squeeze3A_973 : i32 to vector<16xi32>
      %ge3A_1052 = arith.cmpi sge, %add3A_1028, %ge3A_1051 : vector<16xi32>
      %convert_element_type3A_1053 = arith.extui %ge3A_1052 : vector<16xi1> to vector<16xi32>
      %add3A_1054 = arith.addi %add3A_1050, %convert_element_type3A_1053 : vector<16xi32>
      %ge3A_1055 = vector.broadcast %squeeze3A_975 : i32 to vector<16xi32>
      %ge3A_1056 = arith.cmpi sge, %add3A_1028, %ge3A_1055 : vector<16xi32>
      %convert_element_type3A_1057 = arith.extui %ge3A_1056 : vector<16xi1> to vector<16xi32>
      %add3A_1058 = arith.addi %add3A_1054, %convert_element_type3A_1057 : vector<16xi32>
      %ge3A_1059 = vector.broadcast %squeeze3A_977 : i32 to vector<16xi32>
      %ge3A_1060 = arith.cmpi sge, %add3A_1028, %ge3A_1059 : vector<16xi32>
      %convert_element_type3A_1061 = arith.extui %ge3A_1060 : vector<16xi1> to vector<16xi32>
      %add3A_1062 = arith.addi %add3A_1058, %convert_element_type3A_1061 : vector<16xi32>
      %gt3A_1063 = arith.constant 7 : i32
      %gt3A_1064 = vector.broadcast %gt3A_1063 : i32 to vector<16xi32>
      %gt3A_1065 = arith.cmpi sgt, %add3A_1062, %gt3A_1064 : vector<16xi32>
      %broadcast_in_dim3A_1066 = vector.broadcast %reduce_max3A_961 : i32 to vector<16xi32>
      %select_n3A_1067 = arith.select %gt3A_1065, %broadcast_in_dim3A_1066, %add3A_1062 : vector<16xi1>, vector<16xi32>
      %swap3A_1068 = arith.constant 16 : index
      %swap3A_1069 = tpu.vector_load %arg13[%swap3A_1068] {strides = array<i32>} : memref<32xi32, #tpu.memory_space<vmem>>, vector<16xi32>,
      tpu.vector_store %arg13[%swap3A_1068], %select_n3A_1067 {strides = array<i32>} : memref<32xi32, #tpu.memory_space<vmem>>, vector<16xi32>,
      %lt3A_1070 = vector.broadcast %squeeze3A_949 : i32 to vector<16xi32>
      %lt3A_1071 = arith.cmpi slt, %add3A_1028, %lt3A_1070 : vector<16xi32>
      %convert_element_type3A_1072 = arith.extui %lt3A_1071 : vector<16xi1> to vector<16xi32>
      %swap3A_1073 = arith.constant 16 : index
      %swap3A_1074 = tpu.vector_load %arg14[%swap3A_1073] {strides = array<i32>} : memref<32xi32, #tpu.memory_space<vmem>>, vector<16xi32>,
      tpu.vector_store %arg14[%swap3A_1073], %convert_element_type3A_1072 {strides = array<i32>} : memref<32xi32, #tpu.memory_space<vmem>>, vector<16xi32>,
      "tpu.region"() ({
        %run_scoped3A_1075 = tpu.sem_alloc : memref<!tpu.dma_semaphore, #tpu.memory_space<semaphore_mem>>
        tpu.enqueue_dma source(%arg13 : memref<32xi32, #tpu.memory_space<vmem>>) target(%arg7 : memref<32xi32, #tpu.memory_space<hbm>>) target_semaphore(%run_scoped3A_1075 : memref<!tpu.dma_semaphore, #tpu.memory_space<semaphore_mem>>)
        tpu.wait_dma2 semaphore(%run_scoped3A_1075 : memref<!tpu.dma_semaphore, #tpu.memory_space<semaphore_mem>>) src(%arg13 : memref<32xi32, #tpu.memory_space<vmem>>) dst(%arg7 : memref<32xi32, #tpu.memory_space<hbm>>)
        tpu.yield
      }) : () -> ()
      "tpu.region"() ({
        %run_scoped3A_1075 = tpu.sem_alloc : memref<!tpu.dma_semaphore, #tpu.memory_space<semaphore_mem>>
        tpu.enqueue_dma source(%arg14 : memref<32xi32, #tpu.memory_space<vmem>>) target(%arg8 : memref<32xi32, #tpu.memory_space<hbm>>) target_semaphore(%run_scoped3A_1075 : memref<!tpu.dma_semaphore, #tpu.memory_space<semaphore_mem>>)
        tpu.wait_dma2 semaphore(%run_scoped3A_1075 : memref<!tpu.dma_semaphore, #tpu.memory_space<semaphore_mem>>) src(%arg14 : memref<32xi32, #tpu.memory_space<vmem>>) dst(%arg8 : memref<32xi32, #tpu.memory_space<hbm>>)
        tpu.yield
      }) : () -> ()
    } else {
    }
    return
  }
}

module attributes {stable_mosaic.version = 14 : i64} {
  func.func @_router_body(%arg0: memref<1x2048x768xf32, #tpu.memory_space<vmem>>, %arg1: memref<768x128xf32, #tpu.memory_space<vmem>>, %arg2: memref<1x128xf32, #tpu.memory_space<vmem>>, %arg3: memref<2048xi32, #tpu.memory_space<vmem>>, %arg4: memref<32x16xi32, #tpu.memory_space<vmem>>) attributes {dimension_semantics = [], scalar_prefetch = 0 : i64, scratch_operands = 0 : i64, tpu.core_type = #tpu.core_type<tc>} {
    %get3A = arith.constant 0 : index
    %get3A_0 = arith.constant 0 : index
    %get3A_1 = arith.constant 0 : index
    %get3A_2 = vector.load %arg0[%get3A, %get3A_0, %get3A_1] : memref<1x2048x768xf32, #tpu.memory_space<vmem>>, vector<1x2048x768xf32>
    %get3A_3 = vector.shape_cast %get3A_2 : vector<1x2048x768xf32> to vector<2048x768xf32>
    %get3A_4 = arith.constant 0 : index
    %get3A_5 = arith.constant 0 : index
    %get3A_6 = vector.load %arg1[%get3A_4, %get3A_5] : memref<768x128xf32, #tpu.memory_space<vmem>>, vector<768x128xf32>
    %dot_general3A = arith.constant dense<0.000000e+00> : vector<2048x128xf32>
    %dot_general3A_7 = tpu.matmul %get3A_3, %get3A_6, %dot_general3A {dimension_numbers = #tpu.dot_dimension_numbers<[1], [0], [0], [1], [0, 0, 1, 1], [], []>, transpose_lhs_hint = false} : vector<2048x768xf32>, vector<768x128xf32>, vector<2048x128xf32> -> vector<2048x128xf32>
    %get3A_8 = arith.constant 0 : index
    %get3A_9 = arith.constant 0 : index
    %get3A_10 = vector.load %arg2[%get3A_8, %get3A_9] : memref<1x128xf32, #tpu.memory_space<vmem>>, vector<1x128xf32>
    %add3A = vector.broadcast %get3A_10 : vector<1x128xf32> to vector<2048x128xf32>
    %add3A_11 = arith.addf %dot_general3A_7, %add3A : vector<2048x128xf32>
    %reduce_max3A = arith.constant dense<0xFF800000> : vector<2048xf32>
    %reduce_max3A_12 = vector.multi_reduction <maximumf>, %add3A_11, %reduce_max3A [1] : vector<2048x128xf32> to vector<2048xf32>
    %broadcast_in_dim3A = vector.shape_cast %reduce_max3A_12 : vector<2048xf32> to vector<2048x1xf32>
    %iota3A = tpu.iota {dimensions = array<i32: 1>} : vector<2048x128xi32>
    %eq3A = vector.broadcast %broadcast_in_dim3A : vector<2048x1xf32> to vector<2048x128xf32>
    %eq3A_13 = arith.cmpf oeq, %add3A_11, %eq3A : vector<2048x128xf32>
    %jit3A = arith.constant 1073741824 : i32
    %broadcast_in_dim3A_14 = vector.broadcast %jit3A : i32 to vector<2048x128xi32>
    %select_n3A = arith.select %eq3A_13, %iota3A, %broadcast_in_dim3A_14 : vector<2048x128xi1>, vector<2048x128xi32>
    %reduce_min3A = arith.constant dense<2147483647> : vector<2048xi32>
    %reduce_min3A_15 = vector.multi_reduction <minsi>, %select_n3A, %reduce_min3A [1] : vector<2048x128xi32> to vector<2048xi32>
    %swap3A = arith.constant 0 : index
    %swap3A_16 = vector.load %arg3[%swap3A] : memref<2048xi32, #tpu.memory_space<vmem>>, vector<2048xi32>
    tpu.vector_store %arg3[%swap3A], %reduce_min3A_15 {strides = array<i32>} : memref<2048xi32, #tpu.memory_space<vmem>>, vector<2048xi32>,
    %broadcast_in_dim3A_17 = vector.shape_cast %reduce_min3A_15 : vector<2048xi32> to vector<2048x1xi32>
    %eq3A_18 = vector.broadcast %broadcast_in_dim3A_17 : vector<2048x1xi32> to vector<2048x128xi32>
    %eq3A_19 = arith.cmpi eq, %iota3A, %eq3A_18 : vector<2048x128xi32>
    %convert_element_type3A = arith.extui %eq3A_19 : vector<2048x128xi1> to vector<2048x128xi32>
    %convert_element_type3A_20 = arith.sitofp %convert_element_type3A : vector<2048x128xi32> to vector<2048x128xf32>
    %iota3A_21 = tpu.iota {dimensions = array<i32: 0>} : vector<32x2048xi32>
    %iota3A_22 = tpu.iota {dimensions = array<i32: 1>} : vector<32x2048xi32>
    %jit3A_23 = arith.constant 64 : i32
    %div3A = vector.broadcast %jit3A_23 : i32 to vector<32x2048xi32>
    %div3A_24 = arith.divsi %iota3A_22, %div3A : vector<32x2048xi32>
    %sign3A = arith.constant 0 : i32
    %sign3A_25 = vector.broadcast %sign3A : i32 to vector<32x2048xi32>
    %sign3A_26 = arith.cmpi sgt, %iota3A_22, %sign3A_25 : vector<32x2048xi32>
    %sign3A_27 = arith.extui %sign3A_26 : vector<32x2048xi1> to vector<32x2048xi32>
    %sign3A_28 = arith.constant 0 : i32
    %sign3A_29 = vector.broadcast %sign3A_28 : i32 to vector<32x2048xi32>
    %sign3A_30 = arith.cmpi slt, %iota3A_22, %sign3A_29 : vector<32x2048xi32>
    %sign3A_31 = arith.extui %sign3A_30 : vector<32x2048xi1> to vector<32x2048xi32>
    %sign3A_32 = arith.subi %sign3A_27, %sign3A_31 : vector<32x2048xi32>
    %sign3A_33 = arith.constant 0 : i32
    %sign3A_34 = arith.cmpi sgt, %jit3A_23, %sign3A_33 : i32
    %sign3A_35 = arith.extui %sign3A_34 : i1 to i32
    %sign3A_36 = arith.constant 0 : i32
    %sign3A_37 = arith.cmpi slt, %jit3A_23, %sign3A_36 : i32
    %sign3A_38 = arith.extui %sign3A_37 : i1 to i32
    %sign3A_39 = arith.subi %sign3A_35, %sign3A_38 : i32
    %ne3A = vector.broadcast %sign3A_39 : i32 to vector<32x2048xi32>
    %ne3A_40 = arith.cmpi ne, %sign3A_32, %ne3A : vector<32x2048xi32>
    %rem3A = vector.broadcast %jit3A_23 : i32 to vector<32x2048xi32>
    %rem3A_41 = arith.remsi %iota3A_22, %rem3A : vector<32x2048xi32>
    %ne3A_42 = arith.constant 0 : i32
    %ne3A_43 = vector.broadcast %ne3A_42 : i32 to vector<32x2048xi32>
    %ne3A_44 = arith.cmpi ne, %rem3A_41, %ne3A_43 : vector<32x2048xi32>
    %and3A = arith.andi %ne3A_40, %ne3A_44 : vector<32x2048xi1>
    %sub3A = arith.constant 1 : i32
    %sub3A_45 = vector.broadcast %sub3A : i32 to vector<32x2048xi32>
    %sub3A_46 = arith.subi %div3A_24, %sub3A_45 : vector<32x2048xi32>
    %select_n3A_47 = arith.select %and3A, %sub3A_46, %div3A_24 : vector<32x2048xi1>, vector<32x2048xi32>
    %eq3A_48 = arith.cmpi eq, %iota3A_21, %select_n3A_47 : vector<32x2048xi32>
    %convert_element_type3A_49 = arith.extui %eq3A_48 : vector<32x2048xi1> to vector<32x2048xi32>
    %convert_element_type3A_50 = arith.sitofp %convert_element_type3A_49 : vector<32x2048xi32> to vector<32x2048xf32>
    %dot_general3A_51 = arith.constant dense<0.000000e+00> : vector<32x128xf32>
    %dot_general3A_52 = tpu.matmul %convert_element_type3A_50, %convert_element_type3A_20, %dot_general3A_51 {dimension_numbers = #tpu.dot_dimension_numbers<[1], [0], [0], [1], [0, 0, 1, 1], [], []>, transpose_lhs_hint = false} : vector<32x2048xf32>, vector<2048x128xf32>, vector<32x128xf32> -> vector<32x128xf32>
    %slice3A = vector.extract_strided_slice %dot_general3A_52 {offsets = [0, 0], sizes = [32, 16], strides = [1, 1]} : vector<32x128xf32> to vector<32x16xf32>
    %convert_element_type3A_53 = arith.fptosi %slice3A : vector<32x16xf32> to vector<32x16xi32>
    %swap3A_54 = arith.constant 0 : index
    %swap3A_55 = arith.constant 0 : index
    %swap3A_56 = vector.load %arg4[%swap3A_54, %swap3A_55] : memref<32x16xi32, #tpu.memory_space<vmem>>, vector<32x16xi32>
    tpu.vector_store %arg4[%swap3A_54, %swap3A_55], %convert_element_type3A_53 {strides = array<i32>} : memref<32x16xi32, #tpu.memory_space<vmem>>, vector<32x16xi32>,
    return
  }
}

module attributes {stable_mosaic.version = 14 : i64} {
  func.func @_ffn_body(%arg0: i32, %arg1: memref<32xi32, #tpu.memory_space<smem>>, %arg2: memref<32xi32, #tpu.memory_space<smem>>, %arg3: memref<128x768xf32, #tpu.memory_space<vmem>>, %arg4: memref<1x768x1536xf32, #tpu.memory_space<vmem>>, %arg5: memref<8x1536xf32, #tpu.memory_space<vmem>>, %arg6: memref<1x1536x768xf32, #tpu.memory_space<vmem>>, %arg7: memref<8x768xf32, #tpu.memory_space<vmem>>, %arg8: memref<128x768xf32, #tpu.memory_space<vmem>>) attributes {dimension_semantics = [#tpu.dimension_semantics<arbitrary>], iteration_bounds = array<i64: 24>, scalar_prefetch = 2 : i64, scratch_operands = 0 : i64, tpu.core_type = #tpu.core_type<tc>, window_params = [{transform_indices = @transform_0, window_bounds = array<i64: 128, 768>}, {transform_indices = @transform_1, window_bounds = array<i64: 1, 768, 1536>}, {pipeline_mode = #tpu.pipeline_mode<synchronous>, transform_indices = @transform_2, window_bounds = array<i64: 8, 1536>}, {transform_indices = @transform_3, window_bounds = array<i64: 1, 1536, 768>}, {pipeline_mode = #tpu.pipeline_mode<synchronous>, transform_indices = @transform_4, window_bounds = array<i64: 8, 768>}, {transform_indices = @transform_5, window_bounds = array<i64: 128, 768>}]} {
    %get3A = arith.index_cast %arg0 : i32 to index
    %get3A_0 = memref.load %arg2[%get3A] : memref<32xi32, #tpu.memory_space<smem>>
    %eq3A = arith.constant 1 : i32
    %eq3A_1 = arith.cmpi eq, %get3A_0, %eq3A : i32
    %convert_element_type3A = arith.extui %eq3A_1 : i1 to i32
    %cond3A = arith.constant 0 : i32
    %cond3A_2 = arith.cmpi ne, %convert_element_type3A, %cond3A : i32
    scf.if %cond3A_2 {
      %get3A_3 = arith.index_cast %arg0 : i32 to index
      %get3A_4 = memref.load %arg1[%get3A_3] : memref<32xi32, #tpu.memory_space<smem>>
      %get3A_5 = arith.constant 0 : index
      %get3A_6 = arith.constant 0 : index
      %get3A_7 = vector.load %arg3[%get3A_5, %get3A_6] : memref<128x768xf32, #tpu.memory_space<vmem>>, vector<128x768xf32>
      %get3A_8 = arith.constant 0 : index
      %get3A_9 = arith.constant 0 : index
      %get3A_10 = arith.constant 0 : index
      %get3A_11 = vector.load %arg4[%get3A_8, %get3A_9, %get3A_10] : memref<1x768x1536xf32, #tpu.memory_space<vmem>>, vector<1x768x1536xf32>
      %get3A_12 = vector.shape_cast %get3A_11 : vector<1x768x1536xf32> to vector<768x1536xf32>
      %dot_general3A = arith.constant dense<0.000000e+00> : vector<128x1536xf32>
      %dot_general3A_13 = tpu.matmul %get3A_7, %get3A_12, %dot_general3A {dimension_numbers = #tpu.dot_dimension_numbers<[1], [0], [0], [1], [0, 0, 1, 1], [], []>, transpose_lhs_hint = false} : vector<128x768xf32>, vector<768x1536xf32>, vector<128x1536xf32> -> vector<128x1536xf32>
      %get3A_14 = arith.index_cast %get3A_4 : i32 to index
      %get3A_15 = arith.constant 0 : index
      %get3A_16 = vector.load %arg5[%get3A_14, %get3A_15] : memref<8x1536xf32, #tpu.memory_space<vmem>>, vector<1x1536xf32>
      %add3A = vector.broadcast %get3A_16 : vector<1x1536xf32> to vector<128x1536xf32>
      %add3A_17 = arith.addf %dot_general3A_13, %add3A : vector<128x1536xf32>
      %mul3A = arith.constant 5.000000e-01 : f32
      %mul3A_18 = vector.broadcast %mul3A : f32 to vector<128x1536xf32>
      %mul3A_19 = arith.mulf %mul3A_18, %add3A_17 : vector<128x1536xf32>
      %mul3A_20 = arith.constant 0.707106769 : f32
      %mul3A_21 = vector.broadcast %mul3A_20 : f32 to vector<128x1536xf32>
      %mul3A_22 = arith.mulf %add3A_17, %mul3A_21 : vector<128x1536xf32>
      %erf3A = math.erf %mul3A_22 : vector<128x1536xf32>
      %add3A_23 = arith.constant 1.000000e+00 : f32
      %add3A_24 = vector.broadcast %add3A_23 : f32 to vector<128x1536xf32>
      %add3A_25 = arith.addf %add3A_24, %erf3A : vector<128x1536xf32>
      %mul3A_26 = arith.mulf %mul3A_19, %add3A_25 : vector<128x1536xf32>
      %get3A_27 = arith.constant 0 : index
      %get3A_28 = arith.constant 0 : index
      %get3A_29 = arith.constant 0 : index
      %get3A_30 = vector.load %arg6[%get3A_27, %get3A_28, %get3A_29] : memref<1x1536x768xf32, #tpu.memory_space<vmem>>, vector<1x1536x768xf32>
      %get3A_31 = vector.shape_cast %get3A_30 : vector<1x1536x768xf32> to vector<1536x768xf32>
      %dot_general3A_32 = arith.constant dense<0.000000e+00> : vector<128x768xf32>
      %dot_general3A_33 = tpu.matmul %mul3A_26, %get3A_31, %dot_general3A_32 {dimension_numbers = #tpu.dot_dimension_numbers<[1], [0], [0], [1], [0, 0, 1, 1], [], []>, transpose_lhs_hint = false} : vector<128x1536xf32>, vector<1536x768xf32>, vector<128x768xf32> -> vector<128x768xf32>
      %get3A_34 = arith.index_cast %get3A_4 : i32 to index
      %get3A_35 = arith.constant 0 : index
      %get3A_36 = vector.load %arg7[%get3A_34, %get3A_35] : memref<8x768xf32, #tpu.memory_space<vmem>>, vector<1x768xf32>
      %add3A_37 = vector.broadcast %get3A_36 : vector<1x768xf32> to vector<128x768xf32>
      %add3A_38 = arith.addf %dot_general3A_33, %add3A_37 : vector<128x768xf32>
      %swap3A = arith.constant 0 : index
      %swap3A_39 = arith.constant 0 : index
      %swap3A_40 = vector.load %arg8[%swap3A, %swap3A_39] : memref<128x768xf32, #tpu.memory_space<vmem>>, vector<128x768xf32>
      tpu.vector_store %arg8[%swap3A, %swap3A_39], %add3A_38 {strides = array<i32>} : memref<128x768xf32, #tpu.memory_space<vmem>>, vector<128x768xf32>,
    } else {
    }
    return
  }
  func.func @transform_0(%arg0: i32, %arg1: memref<32xi32, #tpu.memory_space<smem>>, %arg2: memref<32xi32, #tpu.memory_space<smem>>) -> (i32, i32) {
    %c0_i32 = arith.constant 0 : i32
    %c0_i32_0 = arith.constant 0 : i32
    return %arg0, %c0_i32 : i32, i32
  }
  func.func @transform_1(%arg0: i32, %arg1: memref<32xi32, #tpu.memory_space<smem>>, %arg2: memref<32xi32, #tpu.memory_space<smem>>) -> (i32, i32, i32) {
    %get3A = arith.index_cast %arg0 : i32 to index
    %get3A_0 = memref.load %arg1[%get3A] : memref<32xi32, #tpu.memory_space<smem>>
    %c0_i32 = arith.constant 0 : i32
    %c0_i32_1 = arith.constant 0 : i32
    %c0_i32_2 = arith.constant 0 : i32
    return %get3A_0, %c0_i32, %c0_i32_1 : i32, i32, i32
  }
  func.func @transform_2(%arg0: i32, %arg1: memref<32xi32, #tpu.memory_space<smem>>, %arg2: memref<32xi32, #tpu.memory_space<smem>>) -> (i32, i32) {
    %c0_i32 = arith.constant 0 : i32
    %c0_i32_0 = arith.constant 0 : i32
    %c0_i32_1 = arith.constant 0 : i32
    return %c0_i32, %c0_i32_0 : i32, i32
  }
  func.func @transform_3(%arg0: i32, %arg1: memref<32xi32, #tpu.memory_space<smem>>, %arg2: memref<32xi32, #tpu.memory_space<smem>>) -> (i32, i32, i32) {
    %get3A = arith.index_cast %arg0 : i32 to index
    %get3A_0 = memref.load %arg1[%get3A] : memref<32xi32, #tpu.memory_space<smem>>
    %c0_i32 = arith.constant 0 : i32
    %c0_i32_1 = arith.constant 0 : i32
    %c0_i32_2 = arith.constant 0 : i32
    return %get3A_0, %c0_i32, %c0_i32_1 : i32, i32, i32
  }
  func.func @transform_4(%arg0: i32, %arg1: memref<32xi32, #tpu.memory_space<smem>>, %arg2: memref<32xi32, #tpu.memory_space<smem>>) -> (i32, i32) {
    %c0_i32 = arith.constant 0 : i32
    %c0_i32_0 = arith.constant 0 : i32
    %c0_i32_1 = arith.constant 0 : i32
    return %c0_i32, %c0_i32_0 : i32, i32
  }
  func.func @transform_5(%arg0: i32, %arg1: memref<32xi32, #tpu.memory_space<smem>>, %arg2: memref<32xi32, #tpu.memory_space<smem>>) -> (i32, i32) {
    %c0_i32 = arith.constant 0 : i32
    %c0_i32_0 = arith.constant 0 : i32
    return %arg0, %c0_i32 : i32, i32
  }
}

</mosaic_0001>

<sc_bundles>
// kernel: kernel.6.cloned.1.call-start
scs
__scs_entry_jumppad:
0x0: {  	(pc) =	sbr.rel $0x88, $3  }
0x1: {  	(tag) =	ssettag $0x0;
	lr =	simm.s32 $0x1  }
0x2: {  	[smem:$0x3F9A] =	sst lr;
	_ =	strace $0xD0000000  }
0x3: {  	_ = 	snop  }
0x4: {  	_ = 	snop  }
0x5: {  	_ = 	snop  }
0x6: {  	_ = 	snop  }
0x7: {  	_ = 	snop  }
__scs_overlays_trampoline_lowered:
0x8: {  	[smem:$0x3FA9] =	sst s0  }
0x9: {  	[smem:$0x3FAA] =	sst s1  }
0xa: {  	[smem:$0x3FAB] =	sst s2  }
0xb: {  	[smem:$0x3FAC] =	sst s3  }
0xc: {  	[smem:$0x3FAD] =	sst s4  }
0xd: {  	[smem:$0x3FAE] =	sst s5  }
0xe: {  	[smem:$0x3FAF] =	sst s6  }
0xf: {  	[smem:$0x3FB0] =	sst s7  }
0x10: {  	[smem:$0x3FB1] =	sst s8  }
0x11: {  	[smem:$0x3FB2] =	sst s9;
	s0 =	simm.s32 @!p0 $0x0  }
0x12: {  	s1 =	sld [smem:$0x3F98];
	s0 =	simm.s32 @p0 $0x1  }
0x13: {  	[smem:$0x3FB3] =	sst s0;
	s0 =	simm.s32 @!p1 $0x0  }
0x14: {  	s2 =	sld [smem:$0x3F97];
	s0 =	simm.s32 @p1 $0x1  }
0x15: {  	[smem:$0x3FB4] =	sst s0;
	s0 =	simm.s32 @!p2 $0x0  }
0x16: {  	s3 =	sld [smem:$0x3FDB];
	s0 =	simm.s32 @p2 $0x1  }
0x17: {  	s4 =	simm.s32 $0x1BF5;
	[smem:$0x3FB6] =	sst s0  }
0x18: {  	s0 =	sld [smem:$0x3F99];
	_ =	swait.ge [sflag:s4], $0x0  }
0x19: {  	s7 =	sld [smem:$0x3F9A]  }
0x1a: {  	s8 =	sadd.s32 $0xFFFFE003, lr  }
0x1b: {  	s9 =	sadd.s32 $0xFFFFFEF7, lr;
	s5 =	simm.s32 $0xFFFFFFFF;
	p2 =	slt.u32 s8, $0xFFFFF086  }
0x1c: {  	p1 =	slt.u32 s9, $0xF7A;
	s5 =	simm.s32 @!p2 $0x0  }
0x1d: {  	s5 =	simm.s32 @p1 $0x1;
	p0 =	seq.s32 s7, s2  }
0x1e: {  	s7 =	smul.u32 @!p0 $0xF7A, s2;
	p2 =	seq.s32 @!p0 s5, $0x0  }
0x1f: {  	s9 =	smul.u32 $0xF7A, s1;
	s8 =	simm.s32 @!p0 $0x1BF5;
	p2 =	por !p2, p0  }
0x20: {  	[sflag:s8] =	ssyncset.s32 @!p0 $0xFFFFF086;
	s6 =	sadd.s32 @!p0 s3, s7;
	s7 =	simm.s32 @!p0 $0x108  }
0x21: {  	s3 =	sadd.s32 s3, s9;
	s6 =	sadd.s32 @!p0 $0x88, s6;
	s7 =	simm.s32 @p2 $0x1082  }
0x22: {  	[simem:s7], [sflag:s8] =	dma.local @!p0 [hbm:s6], $0xF7A  }
0x23: {  	s9 =	sor.u32 $0xD0000000, s2;
	s6 =	simm.s32 $0x108;
	_ =	swait.ge @!p0 [sflag:s8], $0x0  }
0x24: {  	s3 =	sadd.s32 $0x88, s3;
	s6 =	simm.s32 @!p1 $0x1082;
	[sflag:s4] =	ssyncset.s32 $0xFFFFF086  }
0x25: {  	[simem:s6], [sflag:s4] =	dma.local [hbm:s3], $0xF7A  }
0x26: {  	[smem:$0x3F9A] =	sst s1;
	(tag) =	ssettag s2;
	_ =	strace s9  }
0x27: {  	s1 =	sld [smem:$0x3FAA]  }
0x28: {  	s2 =	sld [smem:$0x3FAB]  }
0x29: {  	s4 =	sld [smem:$0x3FAD]  }
0x2a: {  	p0 =	seq.s32 s5, $0x0;
	s5 =	sld [smem:$0x3FAE]  }
0x2b: {  	s6 =	sld [smem:$0x3FAF]  }
0x2c: {  	s7 =	sld [smem:$0x3FB0]  }
0x2d: {  	s3 =	simm.s32 $0x108;
	s8 =	sld [smem:$0x3FB1]  }
0x2e: {  	s3 =	simm.s32 @!p0 $0x1082;
	s9 =	sld [smem:$0x3FB2]  }
0x2f: {  	lr =	sadd.s32 s0, s3;
	s0 =	sld [smem:$0x3FA9]  }
0x30: {  	s3 =	sld [smem:$0x3FAC]  }
0x31: {  	[smem:$0x3FB5] =	sst s10  }
0x32: {  	s10 =	sld [smem:$0x3FB3];
	_ =	sdelay $0x3  }
0x33: {  	p0 =	seq.s32 s10, $0x1;
	s10 =	sld [smem:$0x3FB5];
	_ =	sdelay $0x3  }
0x34: {  	[smem:$0x3FB5] =	sst s10  }
0x35: {  	s10 =	sld [smem:$0x3FB4];
	_ =	sdelay $0x3  }
0x36: {  	p1 =	seq.s32 s10, $0x1;
	s10 =	sld [smem:$0x3FB5];
	_ =	sdelay $0x3  }
0x37: {  	[smem:$0x3FB5] =	sst s10  }
0x38: {  	s10 =	sld [smem:$0x3FB6]  }
0x39: {  	_ = 	snop;
	(pc) =	sbr.ind lr, $3  }
0x3a: {  	_ = 	snop  }
0x3b: {  	_ = 	snop  }
0x3c: {  	p2 =	seq.s32 s10, $0x1;
	s10 =	sld [smem:$0x3FB5]  }
0x3d: {  	_ =	shalt  }
0x3e: {  	_ =	shalt  }
0x3f: {  	_ =	shalt  }
0x40: {  	_ =	shalt  }
0x41: {  	_ =	shalt  }
0x42: {  	_ =	shalt  }
0x43: {  	_ =	shalt  }
0x44: {  	_ =	shalt  }
0x45: {  	_ =	shalt  }
0x46: {  	_ =	shalt  }
0x47: {  	_ =	shalt  }
0x48: {  	_ =	shalt  }
0x49: {  	_ =	shalt  }
0x4a: {  	_ =	shalt  }
0x4b: {  	_ =	shalt  }
0x4c: {  	_ =	shalt  }
0x4d: {  	_ =	shalt  }
0x4e: {  	_ =	shalt  }
0x4f: {  	_ =	shalt  }
0x50: {  	_ =	shalt  }
0x51: {  	_ =	shalt  }
0x52: {  	_ =	shalt  }
0x53: {  	_ =	shalt  }
0x54: {  	_ =	shalt  }
0x55: {  	_ =	shalt  }
0x56: {  	_ =	shalt  }
0x57: {  	_ =	shalt  }
0x58: {  	_ =	shalt  }
0x59: {  	_ =	shalt  }
0x5a: {  	_ =	shalt  }
0x5b: {  	_ =	shalt  }
0x5c: {  	_ =	shalt  }
0x5d: {  	_ =	shalt  }
0x5e: {  	_ =	shalt  }
0x5f: {  	_ =	shalt  }
0x60: {  	_ =	shalt  }
0x61: {  	_ =	shalt  }
0x62: {  	_ =	shalt  }
0x63: {  	_ =	shalt  }
0x64: {  	_ =	shalt  }
0x65: {  	_ =	shalt  }
0x66: {  	_ =	shalt  }
0x67: {  	_ =	shalt  }
0x68: {  	_ =	shalt  }
0x69: {  	_ =	shalt  }
0x6a: {  	_ =	shalt  }
0x6b: {  	_ =	shalt  }
0x6c: {  	_ =	shalt  }
0x6d: {  	_ =	shalt  }
0x6e: {  	_ =	shalt  }
0x6f: {  	_ =	shalt  }
0x70: {  	_ =	shalt  }
0x71: {  	_ =	shalt  }
0x72: {  	_ =	shalt  }
0x73: {  	_ =	shalt  }
0x74: {  	_ =	shalt  }
0x75: {  	_ =	shalt  }
0x76: {  	_ =	shalt  }
0x77: {  	_ =	shalt  }
0x78: {  	_ =	shalt  }
0x79: {  	_ =	shalt  }
0x7a: {  	_ =	shalt  }
0x7b: {  	_ =	shalt  }
0x7c: {  	_ =	shalt  }
0x7d: {  	_ =	shalt  }
0x7e: {  	_ =	shalt  }
0x7f: {  	_ =	shalt  }
0x80: {  	_ =	shalt  }
0x81: {  	_ =	shalt  }
0x82: {  	_ =	shalt  }
0x83: {  	_ =	shalt  }
0x84: {  	_ =	shalt  }
0x85: {  	_ =	shalt  }
0x86: {  	_ =	shalt  }
0x87: {  	_ =	shalt  }
.Lfunc_end0:
.L_simem_size_0:
called_computation_lowered:
.L_overlay_start_0:
0x88: {  	s2 =	sld [smem:$0x3FD9]  }
0x89: {  	s3 =	sld [smem:$0x3FFE];
	_ =	sdelay $0x1  }
0x8a: {  	s1 =	srdreg.scid  }
0x8b: {  	s0 =	sand.u32 $0x1, s1  }
0x8c: {  	s17 =	sshll.u32 s0, $0xA;
	s2 =	sadd.s32 s3, s2  }
0x8d: {  	s2 =	sadd.s32 s2, s17  }
0x8e: {  	[smem:$0x3FC1] =	sst s2  }
0x8f: {  	_ = 	snop  }
0x90: {  	s2 =	sld [smem:$0x3FC9]  }
0x91: {  	s18 =	sld [smem:$0x3FD0];
	(tm) =	ssettm $0x1  }
0x92: {  	s4 =	sld [smem:$0x3FFB];
	_ =	sdelay $0x3  }
0x93: {  	_ =	strace s4  }
0x94: {  	s4 =	sld [smem:$0x3FFC];
	_ =	sdelay $0x3  }
0x95: {  	_ =	strace s4  }
0x96: {  	s4 =	sld [smem:$0x3FFD];
	_ =	sdelay $0x3  }
0x97: {  	_ =	strace s4  }
0x98: {  	_ =	strace $0x8FFFFFFF  }
0x99: {  	s19 =	sld [smem:$0x3FDB];
	_ =	sdelay $0x1  }
0x9a: {  	s5 =	simm.s32 $_scs_section_size  }
0x9b: {  	s6 =	simm.s32 $_size__tile_overlayer_lowered;
	s7 =	simm.s32 $_tile_overlayer_lowered  }
0x9c: {  	s22 =	simm.s32 $0x1BFF;
	s21 =	sshll.u32 s7, $0x1;
	s4 =	sadd.s32 s5, s19  }
0x9d: {  	s8 =	simm.s32 $0x0;
	s20 =	sshll.u32 s6, $0x1;
	s6 =	sadd.s32 s21, s4  }
0x9e: {  	[timem:s8], [sflag:s22] =	dma.local [hbm:s6], s20  }
0x9f: {  	_ =	swait.ge [sflag:s22], s20  }
0xa0: {  	s5 =	ssub.s32 $0x0, s20;
	[sflag:s22] =	ssyncset.done $0x0  }
0xa1: {  	[sflag:s22] =	ssyncadd.s32 s5;
	_ =	sdelay $0x1  }
0xa2: {  	s23 =	simm.s32 $0x1B8B  }
0xa3: {  	_ =	swait.ge [sflag:s23], $0x1  }
0xa4: {  	[sflag:s23] =	ssyncset.done $0x0  }
0xa5: {  	s25 =	simm.s32 $0x1B8E;
	s24 =	sld [smem:$0x3FFE];
	[sflag:s23] =	ssyncadd.s32 $0xFFFFFFFF  }
0xa6: {  	s26 =	simm.s32 $execute0_lowered;
	[smem:$0x3FD2] =	sst s25  }
0xa7: {  	s6 =	sshll.u32 s26, $0x1;
	_ =	strace $0x80000046;
	[dreg:$0x1] =	wrdreg $0xFFFFFFFF  }
0xa8: {  	s28 =	simm.s32 $_size_execute0_lowered;
	s4 =	sadd.s32 s4, s6;
	[dreg:$0x0] =	wrdreg $0x0  }
0xa9: {  	s6 =	sshll.u32 s28, $0x1;
	[dreg:$0x2] =	wrdreg s4  }
0xaa: {  	[dreg:$0x3] =	wrdreg s6  }
0xab: {  	[dreg:$0x4] =	wrdreg $0xC0  }
0xac: {  	_ =	task [dreg:s8], $0x5FFFF  }
0xad: {  	[dreg:$0x1] =	wrdreg $0xFFFFFFFF  }
0xae: {  	[dreg:$0x0] =	wrdreg $0x60  }
0xaf: {  	[dreg:$0x2] =	wrdreg s24  }
0xb0: {  	[dreg:$0x3] =	wrdreg s2  }
0xb1: {  	[dreg:$0x4] =	wrdreg s18  }
0xb2: {  	[dreg:$0x5] =	wrdreg $0x9  }
0xb3: {  	_ =	task.clear_ibuf [dreg:s8], $0x6FFFF;
	_ =	strace $0x90000046  }
0xb4: {  	s29 =	simm.s32 $0x9;
	_ =	strace $0x80000048  }
0xb5: {  	_ =	swait.ge [sflag:s29], $0x1  }
0xb6: {  	[sflag:s29] =	ssyncadd.s32 $0xFFFFFFFF  }
0xb7: {  	_ =	strace $0x90000048  }
0xb8: {  	_ =	sfence  }
0xb9: {  	s30 =	sld [smem:$0x0];
	_ =	sdelay $0x2  }
0xba: {  	s31 =	sshll.u32 s1, $0xD;
	s1 =	sshrl.u32 s1, $0x2  }
0xbb: {  	s3 =	sand.u32 $0x4000, s31;
	s1 =	sadd.s32 s1, s30  }
0xbc: {  	s0 =	sor.u32 s3, s0;
	s1 =	sshll.u32 s1, $0x11  }
0xbd: {  	s0 =	sor.u32 s1, s0  }
0xbe: {  	s0 =	sadd.s32 $0x8F2B, s0  }
0xbf: {  	[sflag:s0] =	ssyncadd.remote.s32 $0x1  }
0xc0: {  	_ =	sfence.sel $0xFFFF  }
0xc1: {  	[dreg:$0x0] =	wrdreg $0xFFFFFFFF;
	(pc) =	sbr.abs _section_cstart, $3  }
0xc2: {  	[dreg:$0x1] =	wrdreg $0xFFFFFFFF  }
0xc3: {  	_ =	task.clear_ibuf [dreg:s8], $0x2FFFF;
	_ =	strace $0x9FFFFFFF  }
0xc4: {  	(tm) =	ssettm $0x7FFFFFFF  }
0xc5: {  	_ =	shalt  }
tec
execute0_lowered:
.L_overlay_start_1:
0x0: {  	(tag) =	ssettag $0x1  }
0x1: {  	s2 =	srdreg.scid;
	s4 =	stileid.u32  }
0x2: {  	s2 =	sand.u32 $0x1, s2;
	s4 =	sshll.u32 s4, $0x1  }
0x3: {  	s5 =	sor.u32 s2, s4  }
0x4: {  	v5 =	vmov s5  }
0x5: {  	s0 =	rddreg [dreg:$0x0];
	s3 =	simm.s32 $0x0;
	v0 =	vimm.s32 $0x0;
	vm0 =	veq.s32 v5, $0x1F  }
0x6: {  	[smem:$0x7FF] =	sst s3;
	v0 =	vsel vm0, $0xFFFFFFFF, v0  }
0x7: {  	s1 =	rddreg [dreg:$0x1];
	_ =	strace $0x80000047;
	vm6 =	vgt.u32 v5, $0x1D;
	[tilespmem:$0x1FE10] =	vst v0;
	v0 =	vimm.s32 $0x0  }
0x8: {  	v0 =	vsel vm6, $0xFFFFFFFF, v0  }
0x9: {  	vm7 =	vgt.u32 v5, $0x1C;
	[tilespmem:$0x1FE20] =	vst v0;
	v0 =	vimm.s32 $0x0  }
0xa: {  	v0 =	vsel vm7, $0xFFFFFFFF, v0  }
0xb: {  	vm8 =	vgt.u32 v5, $0x1B;
	[tilespmem:$0x1FE30] =	vst v0;
	v0 =	vimm.s32 $0x0  }
0xc: {  	v0 =	vsel vm8, $0xFFFFFFFF, v0  }
0xd: {  	vm9 =	vgt.u32 v5, $0x1A;
	[tilespmem:$0x1FE40] =	vst v0;
	v0 =	vimm.s32 $0x0  }
0xe: {  	v0 =	vsel vm9, $0xFFFFFFFF, v0  }
0xf: {  	vm10 =	vgt.u32 v5, $0x19;
	[tilespmem:$0x1FE50] =	vst v0;
	v0 =	vimm.s32 $0x0  }
0x10: {  	v0 =	vsel vm10, $0xFFFFFFFF, v0  }
0x11: {  	vm11 =	vgt.u32 v5, $0x18;
	[tilespmem:$0x1FE60] =	vst v0;
	v0 =	vimm.s32 $0x0  }
0x12: {  	v0 =	vsel vm11, $0xFFFFFFFF, v0  }
0x13: {  	vm4 =	vgt.u32 v5, $0x17;
	[tilespmem:$0x1FE70] =	vst v0;
	v0 =	vimm.s32 $0x0  }
0x14: {  	v0 =	vsel vm4, $0xFFFFFFFF, v0  }
0x15: {  	vm5 =	vgt.u32 v5, $0x16;
	[tilespmem:$0x1FE80] =	vst v0;
	v0 =	vimm.s32 $0x0  }
0x16: {  	v6 =	vimm.s32 $0x0;
	v0 =	vsel vm5, $0xFFFFFFFF, v0;
	vm5 =	vgt.u32 v5, $0xE  }
0x17: {  	vm6 =	vgt.u32 v5, $0x15;
	[tilespmem:$0x1FE90] =	vst v0;
	v0 =	vimm.s32 $0x0;
	v6 =	vsel vm5, $0xFFFFFFFF, v6  }
0x18: {  	v0 =	vsel vm6, $0xFFFFFFFF, v0;
	[tilespmem:$0x1FF10] =	vst v6;
	vm6 =	vgt.u32 v5, $0xD;
	v6 =	vimm.s32 $0x0  }
0x19: {  	vm7 =	vgt.u32 v5, $0x14;
	[tilespmem:$0x1FEA0] =	vst v0;
	v0 =	vimm.s32 $0x0;
	v6 =	vsel vm6, $0xFFFFFFFF, v6  }
0x1a: {  	v0 =	vsel vm7, $0xFFFFFFFF, v0;
	[tilespmem:$0x1FF20] =	vst v6;
	vm7 =	vgt.u32 v5, $0xC;
	v6 =	vimm.s32 $0x0  }
0x1b: {  	vm8 =	vgt.u32 v5, $0x13;
	[tilespmem:$0x1FEB0] =	vst v0;
	v0 =	vimm.s32 $0x0;
	v6 =	vsel vm7, $0xFFFFFFFF, v6  }
0x1c: {  	v0 =	vsel vm8, $0xFFFFFFFF, v0;
	[tilespmem:$0x1FF30] =	vst v6;
	vm8 =	vgt.u32 v5, $0xB;
	v6 =	vimm.s32 $0x0  }
0x1d: {  	vm9 =	vgt.u32 v5, $0x12;
	[tilespmem:$0x1FEC0] =	vst v0;
	v0 =	vimm.s32 $0x0;
	v6 =	vsel vm8, $0xFFFFFFFF, v6  }
0x1e: {  	v0 =	vsel vm9, $0xFFFFFFFF, v0;
	[tilespmem:$0x1FF40] =	vst v6;
	vm9 =	vgt.u32 v5, $0xA;
	v6 =	vimm.s32 $0x0  }
0x1f: {  	vm10 =	vgt.u32 v5, $0x11;
	[tilespmem:$0x1FED0] =	vst v0;
	v0 =	vimm.s32 $0x0;
	v6 =	vsel vm9, $0xFFFFFFFF, v6  }
0x20: {  	v0 =	vsel vm10, $0xFFFFFFFF, v0;
	[tilespmem:$0x1FF50] =	vst v6;
	vm10 =	vgt.u32 v5, $0x9;
	v6 =	vimm.s32 $0x0  }
0x21: {  	vm11 =	vgt.u32 v5, $0x10;
	[tilespmem:$0x1FEE0] =	vst v0;
	v0 =	vimm.s32 $0x0;
	v6 =	vsel vm10, $0xFFFFFFFF, v6  }
0x22: {  	v0 =	vsel vm11, $0xFFFFFFFF, v0;
	[tilespmem:$0x1FF60] =	vst v6;
	vm11 =	vgt.u32 v5, $0x8;
	v6 =	vimm.s32 $0x0  }
0x23: {  	vm4 =	vgt.u32 v5, $0xF;
	[tilespmem:$0x1FEF0] =	vst v0;
	v0 =	vimm.s32 $0x0;
	v6 =	vsel vm11, $0xFFFFFFFF, v6  }
0x24: {  	v0 =	vsel vm4, $0xFFFFFFFF, v0;
	[tilespmem:$0x1FF70] =	vst v6;
	vm4 =	vgt.u32 v5, $0x7;
	v6 =	vimm.s32 $0x0  }
0x25: {  	v6 =	vsel vm4, $0xFFFFFFFF, v6  }
0x26: {  	vm5 =	vgt.u32 v5, $0x6;
	[tilespmem:$0x1FF80] =	vst v6;
	v6 =	vimm.s32 $0x0  }
0x27: {  	v6 =	vsel vm5, $0xFFFFFFFF, v6  }
0x28: {  	vm6 =	vgt.u32 v5, $0x5;
	[tilespmem:$0x1FF90] =	vst v6;
	v6 =	vimm.s32 $0x0  }
0x29: {  	v6 =	vsel vm6, $0xFFFFFFFF, v6  }
0x2a: {  	vm7 =	vgt.u32 v5, $0x4;
	[tilespmem:$0x1FFA0] =	vst v6;
	v6 =	vimm.s32 $0x0  }
0x2b: {  	s13 =	simm.s32 $0x2;
	v6 =	vsel vm7, $0xFFFFFFFF, v6  }
0x2c: {  	s16 =	simm.s32 $0x1100;
	s19 =	simm.s32 $0x1;
	s7 =	sadd.s32 $0x4A200, s0;
	vm8 =	vgt.u32 v5, $0x3;
	[tilespmem:$0x1FFB0] =	vst v6;
	v6 =	vimm.s32 $0x0  }
0x2d: {  	v1 =	vimm.s32 $0x0;
	s8 =	sadd.s32 $0x4A400, s0;
	s10 =	sadd.s32 $0x2300, s0;
	s11 =	sadd.s32 $0x2400, s0;
	v6 =	vsel vm8, $0xFFFFFFFF, v6  }
.Ltmp0:
0x2e: {  	s2 =	ssub.s32 $0x2, s2;
	[dreg:$0x4] =	wrdreg s7;
	vm9 =	vgt.u32 v5, $0x2;
	vm10 =	vgt.u32 v5, $0x1;
	[tilespmem:$0x1FFC0] =	vst v6;
	v6 =	vimm.s32 $0x0;
	(pc) =	sbr.rel .LBB2_1-.Ltmp0, $4  }
0x2f: {  	[dreg:$0x5] =	wrdreg s8;
	s4 =	sshll.u32 s5, $0x3;
	s31 =	sshrl.u32 s2, $0x1;
	vm11 =	veq.s32 v5, $0x0;
	v5 =	vimm.s32 $0x0;
	[tilespmem:$0x1FF00] =	vst v0;
	v6 =	vsel vm9, $0xFFFFFFFF, v6  }
0x30: {  	s9 =	smul.u32 $0x1800, s5;
	p0 =	sne.s32 s5, $0x0;
	s6 =	sadd.s32 s4, s0;
	v0 =	vlaneseq.u32;
	v5 =	vsel vm11, $0xFFFFFFFF, v5;
	[tilespmem:$0x1FFD0] =	vst v6;
	v6 =	vimm.s32 $0x0  }
0x31: {  	vm15 =	vmmov $0xffff;
	s4 =	sadd.s32 $0x2200, s0;
	s2 =	ssub.s32 s2, s31;
	s7 =	sadd.s32 $0x2000, s6;
	v3 =	vshrl.u32 v0, $0x3;
	[tilespmem:$0x1FFF0] =	vst v5;
	v6 =	vsel vm10, $0xFFFFFFFF, v6  }
0x32: {  	s8 =	sadd.s32 $0x4A600, s6;
	s9 =	sadd.s32 s1, s9;
	s12 =	smax.u32 s2, $0x1;
	v2 =	vand.u32 $0x7, v0;
	v4 =	vor.u32 $0x8, v0;
	v3 =	vmul.u32 $0x8, v3;
	[tilespmem:$0x1FFE0] =	vst v6  }
.LBB2_3:
0x33: {  	s12 =	sadd.s32 $0xFFFFFFFF, s12  }
0x34: {  	p1 =	sne.s32 s12, $0x0  }
.Ltmp1:
0x35: {  	_ = 	snop;
	(pc) =	sbr.rel @!p1 .LBB2_4-.Ltmp1, $1  }
0x36: {  	_ =	sdelay $0x3  }
.LBB2_1:
0x37: {  	s0 =	rddreg [dreg:$0x2]  }
0x38: {  	[tilespmem:s3], [sflag:$0x2] =	stream.linear.gather [hbm4b:s0+s3], $0x1000, $0x38;
	[tilespmem:$0xD200] =	vst v63  }
0x39: {  	_ =	swait.ge [sflag:s13], $0x1000  }
0x3a: {  	[sflag:s13] =	ssyncset.done $0x0  }
0x3b: {  	s24 =	simm.s32 $0x1000;
	[sflag:s13] =	ssyncadd.s32 $0xFFFFF000  }
0x3c: {  	[tilespmem:s24], [sflag:$0x2] =	stream.linear.gather [hbm4b:s7+s3], $0x40, $0x38;
	[tilespmem:$0xD200] =	vst v63  }
0x3d: {  	_ =	swait.ge [sflag:s13], $0x40  }
0x3e: {  	[sflag:s13] =	ssyncset.done $0x0;
	v24 =	vld [tilespmem:$0x1FFF0]  }
0x3f: {  	v33 =	vld [tilespmem:$0x1FFE0];
	[sflag:s13] =	ssyncadd.s32 $0xFFFFFFC0  }
0x40: {  	v5 =	vld [tilespmem:$0x0]  }
0x41: {  	v6 =	vld [tilespmem:$0x80];
	_ =	sdelay $0x3  }
0x42: {  	vm0 =	vnez.u8 v24;
	vm10 =	vnez.u8 v33  }
0x43: {  	v12 =	vadd.s32 v6, v5;
	v5 =	vsel vm0, $0x0, v5;
	v6 =	vnsel vm10, $0x0, v6  }
0x44: {  	v5 =	vadd.s32 v5, v6;
	v6 =	vld [tilespmem:$0x1FFD0]  }
0x45: {  	v7 =	vld [tilespmem:$0x100];
	_ =	sdelay $0x3  }
0x46: {  	vm11 =	vnez.u8 v6  }
0x47: {  	v6 =	vnsel vm11, $0x0, v7  }
0x48: {  	v5 =	vadd.s32 v6, v5;
	v6 =	vld [tilespmem:$0x1FFC0]  }
0x49: {  	v8 =	vld [tilespmem:$0x180];
	_ =	sdelay $0x3  }
0x4a: {  	vm4 =	vnez.u8 v6  }
0x4b: {  	v6 =	vnsel vm4, $0x0, v8  }
0x4c: {  	v5 =	vadd.s32 v6, v5;
	v6 =	vld [tilespmem:$0x1FFB0]  }
0x4d: {  	v9 =	vld [tilespmem:$0x200];
	_ =	sdelay $0x3  }
0x4e: {  	vm5 =	vnez.u8 v6  }
0x4f: {  	v6 =	vnsel vm5, $0x0, v9  }
0x50: {  	v5 =	vadd.s32 v6, v5;
	v6 =	vld [tilespmem:$0x1FFA0]  }
0x51: {  	v10 =	vld [tilespmem:$0x280];
	_ =	sdelay $0x3  }
0x52: {  	vm6 =	vnez.u8 v6  }
0x53: {  	v6 =	vnsel vm6, $0x0, v10  }
0x54: {  	v5 =	vadd.s32 v6, v5;
	v6 =	vld [tilespmem:$0x1FF90]  }
0x55: {  	v11 =	vld [tilespmem:$0x300];
	_ =	sdelay $0x3  }
0x56: {  	vm7 =	vnez.u8 v6  }
0x57: {  	v6 =	vnsel vm7, $0x0, v11  }
0x58: {  	v5 =	vadd.s32 v6, v5;
	v6 =	vld [tilespmem:$0x1FF80]  }
0x59: {  	v13 =	vld [tilespmem:$0x380];
	_ =	sdelay $0x3  }
0x5a: {  	vm8 =	vnez.u8 v6  }
0x5b: {  	v6 =	vnsel vm8, $0x0, v13  }
0x5c: {  	v5 =	vadd.s32 v6, v5;
	v6 =	vld [tilespmem:$0x1FF70]  }
0x5d: {  	v14 =	vld [tilespmem:$0x400];
	_ =	sdelay $0x3  }
0x5e: {  	vm9 =	vnez.u8 v6  }
0x5f: {  	v6 =	vnsel vm9, $0x0, v14  }
0x60: {  	v5 =	vadd.s32 v6, v5;
	v6 =	vld [tilespmem:$0x1FF60]  }
0x61: {  	v15 =	vld [tilespmem:$0x480];
	_ =	sdelay $0x3  }
0x62: {  	vm10 =	vnez.u8 v6  }
0x63: {  	v6 =	vnsel vm10, $0x0, v15  }
0x64: {  	v5 =	vadd.s32 v6, v5;
	v6 =	vld [tilespmem:$0x1FF50]  }
0x65: {  	v16 =	vld [tilespmem:$0x500];
	_ =	sdelay $0x3  }
0x66: {  	vm11 =	vnez.u8 v6  }
0x67: {  	v6 =	vnsel vm11, $0x0, v16  }
0x68: {  	v5 =	vadd.s32 v6, v5;
	v6 =	vld [tilespmem:$0x1FF40]  }
0x69: {  	v17 =	vld [tilespmem:$0x580];
	_ =	sdelay $0x3  }
0x6a: {  	vm4 =	vnez.u8 v6  }
0x6b: {  	v6 =	vnsel vm4, $0x0, v17  }
0x6c: {  	v5 =	vadd.s32 v6, v5;
	v6 =	vld [tilespmem:$0x1FF30]  }
0x6d: {  	v18 =	vld [tilespmem:$0x600];
	_ =	sdelay $0x3  }
0x6e: {  	vm5 =	vnez.u8 v6  }
0x6f: {  	v6 =	vnsel vm5, $0x0, v18  }
0x70: {  	v5 =	vadd.s32 v6, v5;
	v6 =	vld [tilespmem:$0x1FF20]  }
0x71: {  	v19 =	vld [tilespmem:$0x680];
	_ =	sdelay $0x3  }
0x72: {  	vm6 =	vnez.u8 v6  }
0x73: {  	v6 =	vnsel vm6, $0x0, v19  }
0x74: {  	v5 =	vadd.s32 v6, v5;
	v6 =	vld [tilespmem:$0x1FF10]  }
0x75: {  	v20 =	vld [tilespmem:$0x700];
	_ =	sdelay $0x3  }
0x76: {  	vm7 =	vnez.u8 v6  }
0x77: {  	v6 =	vnsel vm7, $0x0, v20  }
0x78: {  	v5 =	vadd.s32 v6, v5;
	v6 =	vld [tilespmem:$0x1FF00]  }
0x79: {  	v21 =	vld [tilespmem:$0x780];
	_ =	sdelay $0x3  }
0x7a: {  	v12 =	vadd.s32 v7, v12;
	vm8 =	vnez.u8 v6  }
0x7b: {  	v12 =	vadd.s32 v8, v12;
	v6 =	vnsel vm8, $0x0, v21  }
0x7c: {  	v12 =	vadd.s32 v9, v12;
	v5 =	vadd.s32 v6, v5;
	v6 =	vld [tilespmem:$0x1FEF0]  }
0x7d: {  	v22 =	vld [tilespmem:$0x800];
	v12 =	vadd.s32 v10, v12  }
0x7e: {  	v12 =	vadd.s32 v11, v12  }
0x7f: {  	v12 =	vadd.s32 v13, v12  }
0x80: {  	v12 =	vadd.s32 v14, v12  }
0x81: {  	v23 =	vld [tilespmem:$0x880];
	v12 =	vadd.s32 v15, v12;
	vm9 =	vnez.u8 v6  }
0x82: {  	v34 =	vld [tilespmem:$0x900];
	v12 =	vadd.s32 v16, v12;
	v6 =	vnsel vm9, $0x0, v22  }
0x83: {  	v12 =	vadd.s32 v17, v12;
	v5 =	vadd.s32 v6, v5;
	v6 =	vld [tilespmem:$0x1FEE0]  }
0x84: {  	v35 =	vld [tilespmem:$0xA80];
	v12 =	vadd.s32 v18, v12  }
0x85: {  	v36 =	vld [tilespmem:$0xB00];
	v12 =	vadd.s32 v19, v12  }
0x86: {  	v7 =	vld [tilespmem:$0x980];
	v12 =	vadd.s32 v20, v12  }
0x87: {  	v8 =	vld [tilespmem:$0xA00];
	v12 =	vadd.s32 v21, v12  }
0x88: {  	v37 =	vld [tilespmem:$0xB80];
	v12 =	vadd.s32 v22, v12;
	vm10 =	vnez.u8 v6  }
0x89: {  	v38 =	vld [tilespmem:$0xC00];
	v12 =	vadd.s32 v23, v12;
	v6 =	vnsel vm10, $0x0, v23  }
0x8a: {  	v12 =	vadd.s32 v34, v12;
	v5 =	vadd.s32 v6, v5;
	v6 =	vld [tilespmem:$0x1FED0]  }
0x8b: {  	v39 =	vld [tilespmem:$0xC80];
	v12 =	vadd.s32 v7, v12  }
0x8c: {  	v40 =	vld [tilespmem:$0xD00];
	v12 =	vadd.s32 v8, v12  }
0x8d: {  	v41 =	vld [tilespmem:$0xD80];
	v12 =	vadd.s32 v35, v12  }
0x8e: {  	v42 =	vld [tilespmem:$0xE00];
	v12 =	vadd.s32 v36, v12  }
0x8f: {  	v43 =	vld [tilespmem:$0xE80];
	v12 =	vadd.s32 v37, v12;
	vm11 =	vnez.u8 v6  }
0x90: {  	v44 =	vld [tilespmem:$0xF00];
	v12 =	vadd.s32 v38, v12;
	v6 =	vnsel vm11, $0x0, v34  }
0x91: {  	v12 =	vadd.s32 v39, v12;
	v5 =	vadd.s32 v6, v5;
	v6 =	vld [tilespmem:$0x1FEC0]  }
0x92: {  	v45 =	vld [tilespmem:$0xF80];
	v12 =	vadd.s32 v40, v12  }
0x93: {  	v12 =	vadd.s32 v41, v12  }
0x94: {  	v12 =	vadd.s32 v42, v12  }
0x95: {  	v12 =	vadd.s32 v43, v12  }
0x96: {  	v12 =	vadd.s32 v44, v12;
	vm4 =	vnez.u8 v6  }
0x97: {  	v6 =	vnsel vm4, $0x0, v7;
	v7 =	vadd.s32 v45, v12  }
0x98: {  	v5 =	vadd.s32 v6, v5;
	v6 =	vadd.s32 $0x7F, v7;
	v7 =	vld [tilespmem:$0x1FEB0];
	_ =	sdelay $0x4  }
0x99: {  	vm5 =	vnez.u8 v7  }
0x9a: {  	v7 =	vnsel vm5, $0x0, v8  }
0x9b: {  	v5 =	vadd.s32 v7, v5;
	v7 =	vld [tilespmem:$0x1FEA0];
	_ =	sdelay $0x4  }
0x9c: {  	vm7 =	vnez.u8 v7  }
0x9d: {  	v7 =	vnsel vm7, $0x0, v35  }
0x9e: {  	v5 =	vadd.s32 v7, v5;
	v7 =	vld [tilespmem:$0x1FE90];
	_ =	sdelay $0x4  }
0x9f: {  	vm8 =	vnez.u8 v7  }
0xa0: {  	v7 =	vnsel vm8, $0x0, v36  }
0xa1: {  	v5 =	vadd.s32 v7, v5;
	v7 =	vld [tilespmem:$0x1FE80];
	_ =	sdelay $0x4  }
0xa2: {  	vm9 =	vnez.u8 v7  }
0xa3: {  	v7 =	vnsel vm9, $0x0, v37  }
0xa4: {  	v5 =	vadd.s32 v7, v5;
	v7 =	vld [tilespmem:$0x1FE70];
	_ =	sdelay $0x4  }
0xa5: {  	vm10 =	vnez.u8 v7  }
0xa6: {  	v7 =	vnsel vm10, $0x0, v38  }
0xa7: {  	v5 =	vadd.s32 v7, v5;
	v7 =	vld [tilespmem:$0x1FE60];
	_ =	sdelay $0x4  }
0xa8: {  	vm11 =	vnez.u8 v7  }
0xa9: {  	v7 =	vnsel vm11, $0x0, v39  }
0xaa: {  	v5 =	vadd.s32 v7, v5;
	v7 =	vld [tilespmem:$0x1FE50];
	_ =	sdelay $0x4  }
0xab: {  	v46 =	vand.u32 $0x7F, v6;
	vm4 =	vnez.u8 v7  }
0xac: {  	v33 =	vld [tilespmem:$0x1020];
	vm6 =	vlt.s32 v6, $0x1;
	v8 =	vshra.s32 v6, $0x1F;
	v7 =	vnsel vm4, $0x0, v40  }
0xad: {  	vm1 =	vne.s32 v46, $0x0;
	v8 =	vshrl.u32 v8, $0x19;
	v5 =	vadd.s32 v7, v5;
	v7 =	vld [tilespmem:$0x1FE40]  }
0xae: {  	vm0 =	vmand vm6, vm1;
	v6 =	vadd.s32 v8, v6  }
0xaf: {  	v8 =	vsel vm0, $0xFFFFFFFF, v1;
	v6 =	vshra.s32 v6, $0x7  }
0xb0: {  	v6 =	vadd.s32 v8, v6;
	v8 =	vld [tilespmem:$0x1000]  }
0xb1: {  	v62 =	vimm.s32 $0x0;
	v48 =	vld [tilespmem:$0x1FE10]  }
0xb2: {  	v31 =	vimm.s32 $0x0;
	vm14 =	veq.s32 v33, $0x0;
	vm5 =	vnez.u8 v7  }
0xb3: {  	v54 =	vld [tilespmem:$0x1010];
	vm12 =	veq.s32 v33, $0x3;
	vm13 =	veq.s32 v33, $0x4;
	v7 =	vnsel vm5, $0x0, v41  }
0xb4: {  	v46 =	vsel vm12, $0x1, v1;
	vm0 =	veq.s32 v33, $0x5;
	v5 =	vadd.s32 v7, v5;
	v7 =	vld [tilespmem:$0x1FE30]  }
0xb5: {  	v35 =	vimm.s32 $0x0;
	vm1 =	veq.s32 v8, $0x0;
	vm2 =	veq.s32 v8, $0x1  }
0xb6: {  	vm3 =	veq.s32 v8, $0x2;
	v51 =	vsel vm1, $0x1, v1;
	vm8 =	vnez.u8 v48  }
0xb7: {  	v52 =	vsel vm2, $0x1, v1;
	v9 =	vnsel vm8, $0x0, v44;
	vm8 =	veq.s32 v8, $0x6  }
0xb8: {  	v53 =	vsel vm3, $0x1, v1;
	v48 =	vimm.s32 $0x0;
	v58 =	vsel vm8, $0x1, v1  }
0xb9: {  	vm9 =	veq.s32 v8, $0x7;
	vm10 =	veq.s32 v54, $0x1;
	vm6 =	vnez.u8 v7  }
0xba: {  	(xrf0) =	vadd.scan.msk.s32 $0xffff, v6;
	v37 =	vimm.s32 $0x0;
	v11 =	vsel vm10, $0xFFFFFFFF, v62;
	v7 =	vnsel vm6, $0x0, v42  }
0xbb: {  	v30 =	vsel vm10, $0x1, v1;
	vm10 =	veq.s32 v54, $0x3;
	v7 =	vadd.s32 v7, v5;
	v5 =	vld [tilespmem:$0x1FE20]  }
0xbc: {  	v59 =	vsel vm9, $0x1, v1;
	v34 =	vsel vm10, $0x1, v1;
	vm11 =	veq.s32 v54, $0x2  }
0xbd: {  	[tilespmem:$0x1FD70] =	vst v11;
	v11 =	vsel vm11, $0xFFFFFFFF, v31;
	v32 =	vsel vm11, $0x1, v1;
	vm11 =	veq.s32 v54, $0x5  }
0xbe: {  	v39 =	vimm.s32 $0x0;
	v38 =	vsel vm11, $0x1, v1;
	vm4 =	veq.s32 v8, $0x3  }
0xbf: {  	v55 =	vsel vm4, $0x1, v1;
	vm5 =	veq.s32 v54, $0x0;
	v41 =	vimm.s32 $0x0  }
0xc0: {  	(xrf0) =	vadd.scan.msk.s32 $0xffff, v51;
	v61 =	vsel vm5, $0x1, v1;
	vm6 =	veq.s32 v8, $0x4;
	vm7 =	vnez.u8 v5;
	v5, _, _ =	vpop (xrf0)  }
0xc1: {  	(xrf0) =	vadd.scan.msk.s32 $0xffff, v52;
	v56 =	vsel vm6, $0x1, v1;
	v47 =	vnsel vm7, $0x0, v43;
	v49 =	vsub.s32 v5, v6  }
0xc2: {  	(xrf0) =	vadd.scan.msk.s32 $0xffff, v53;
	vm7 =	veq.s32 v8, $0x5;
	v8 =	vimm.s32 $0x0;
	v43 =	vsel vm14, $0x1, v1  }
0xc3: {  	[tilespmem:$0x1FD80] =	vst v11;
	v7 =	vadd.s32 v47, v7;
	v50 =	vshll.u32 v49, $0x7;
	v57 =	vsel vm7, $0x1, v1  }
0xc4: {  	(xrf0) =	vadd.scan.msk.s32 $0xffff, v55;
	v8 =	vsel vm9, $0xFFFFFFFF, v8;
	vm9 =	veq.s32 v54, $0x4;
	v47 =	vsel vm13, $0x1, v1  }
0xc5: {  	(xrf0) =	vadd.scan.msk.s32 $0xffff, v56;
	v49 =	vsel vm0, $0x1, v1;
	v7 =	vadd.s32 v9, v7;
	v11 =	vsel vm9, $0xFFFFFFFF, v35  }
0xc6: {  	(xrf0) =	vadd.scan.msk.s32 $0xffff, v57;
	v36 =	vsel vm9, $0x1, v1;
	vm9 =	veq.s32 v54, $0x6;
	v7 =	vadd.s32 v50, v7  }
0xc7: {  	[tilespmem:$0x1FDA0] =	vst v11;
	v11 =	vsel vm11, $0xFFFFFFFF, v37;
	v9 =	vsel vm9, $0xFFFFFFFF, v39;
	v40 =	vsel vm9, $0x1, v1  }
0xc8: {  	[tilespmem:$0x1FD90] =	vst v8;
	vm11 =	veq.s32 v54, $0x7;
	vm9 =	veq.s32 v33, $0x1;
	(v2sf) =	vpush v7, $0x0  }
0xc9: {  	v50 =	vimm.s32 $0x0;
	v8, _, _ =	vpop (xrf0);
	(xrf0) =	vadd.scan.msk.s32 $0xffff, v58;
	v10 =	vsel vm11, $0xFFFFFFFF, v41;
	(v2sf) =	vpush v7, $0x1  }
0xca: {  	[tilespmem:$0x1FDB0] =	vst v11;
	v42 =	vsel vm11, $0x1, v1;
	v44 =	vsel vm9, $0x1, v1;
	(v2sf) =	vpush v7, $0x2  }
0xcb: {  	[tilespmem:$0x1FDC0] =	vst v9;
	vm11 =	veq.s32 v33, $0x2;
	v11 =	vsel vm0, $0xFFFFFFFF, v48;
	(v2sf) =	vpush v7, $0x3  }
0xcc: {  	vm0 =	veq.s32 v33, $0x6;
	v60, _, _ =	vpop (xrf0);
	(xrf0) =	vadd.scan.msk.s32 $0xffff, v59;
	[tilespmem:$0x1FDD0] =	vst v10;
	(v2sf) =	vpush v7, $0x4  }
0xcd: {  	v45 =	vsel vm11, $0x1, v1;
	[tilespmem:$0x1FDE0] =	vst v11;
	v63, _, _ =	vpop (xrf0);
	(xrf0) =	vadd.scan.msk.s32 $0xffff, v61;
	(v2sf) =	vpush v7, $0x5  }
0xce: {  	v10 =	vsel vm0, $0xFFFFFFFF, v50;
	v51 =	vsel vm0, $0x1, v1;
	v25, _, _ =	vpop (xrf0);
	(xrf0) =	vadd.scan.msk.s32 $0xffff, v30;
	(v2sf) =	vpush v7, $0x6  }
0xcf: {  	[tilespmem:$0x1FDF0] =	vst v10;
	v30 =	vadd.s32 $0xFFFFFFFF, v7;
	v26, _, _ =	vpop (xrf0);
	(xrf0) =	vadd.scan.msk.s32 $0xffff, v32;
	(v2sf) =	vpush v7, $0x7  }
0xd0: {  	v31 =	vbroadcast v30, $0x1;
	v54 =	vbroadcast v30, $0x2;
	v27, _, _ =	vpop (xrf0);
	(xrf0) =	vadd.scan.msk.s32 $0xffff, v34;
	(v2sf) =	vpush v8, $0xF  }
0xd1: {  	v55 =	vbroadcast v30, $0x3;
	v28, _, _ =	vpop (xrf0);
	(xrf0) =	vadd.scan.msk.s32 $0xffff, v36;
	v7 =	vbroadcast v30, $0x0;
	(v2sf) =	vpush v60, $0xF  }
0xd2: {  	v57 =	vbroadcast v30, $0x4;
	v59 =	vbroadcast v30, $0x5;
	v9, _, _ =	vpop (xrf0);
	(xrf0) =	vadd.scan.msk.s32 $0xffff, v38;
	(v2sf) =	vpush v63, $0xF  }
0xd3: {  	v23 =	vadd.s32 v60, v31;
	v29, _, _ =	vpop (xrf0);
	(xrf0) =	vadd.scan.msk.s32 $0xffff, v40;
	v7 =	vadd.s32 v8, v7;
	(v2sf) =	vpush v25, $0xF  }
0xd4: {  	v24 =	vadd.s32 v63, v54;
	v12, _, _ =	vpop (xrf0);
	(xrf0) =	vadd.scan.msk.s32 $0xffff, v42;
	v7 =	vnsel vm1, $0x0, v7;
	(v2sf) =	vpush v26, $0xF  }
0xd5: {  	v56 =	vadd.s32 v25, v55;
	v13, _, _ =	vpop (xrf0);
	(xrf0) =	vadd.scan.msk.s32 $0xffff, v43;
	v23 =	vsel vm2, v23, v7;
	(v2sf) =	vpush v27, $0xF  }
0xd6: {  	v60 =	vbroadcast v30, $0x6;
	v15, _, _ =	vpop (xrf0);
	(xrf0) =	vadd.scan.msk.s32 $0xffff, v44;
	v23 =	vsel vm3, v24, v23;
	(v2sf) =	vpush v28, $0xF  }
0xd7: {  	v25 =	vadd.s32 v26, v57;
	v16, _, _ =	vpop (xrf0);
	(xrf0) =	vadd.scan.msk.s32 $0xffff, v45;
	v23 =	vsel vm4, v56, v23;
	s22 =	spop (v2sf);
	(v2sf) =	vpush v9, $0xF  }
0xd8: {  	v24 =	vadd.s32 v27, v59;
	v17, _, _ =	vpop (xrf0);
	(xrf0) =	vadd.scan.msk.s32 $0xffff, v46;
	v23 =	vsel vm6, v25, v23;
	s21 =	spop (v2sf);
	(v2sf) =	vpush v29, $0xF  }
0xd9: {  	v48 =	vld [tilespmem:$0x1FD70];
	v61 =	vadd.s32 v28, v60;
	v11, _, _ =	vpop (xrf0);
	(xrf0) =	vadd.scan.msk.s32 $0xffff, v47;
	v23 =	vsel vm7, v24, v23;
	s23 =	spop (v2sf);
	(v2sf) =	vpush v12, $0xF  }
0xda: {  	v10, _, _ =	vpop (xrf0);
	(xrf0) =	vadd.scan.msk.s32 $0xffff, v49;
	v23 =	vsel vm8, v61, v23;
	v61 =	vbroadcast v30, $0x7;
	v30 =	vld [tilespmem:$0x1FD90];
	s24 =	spop (v2sf);
	(v2sf) =	vpush v13, $0xF  }
0xdb: {  	v22, _, _ =	vpop (xrf0);
	(xrf0) =	vadd.scan.msk.s32 $0xffff, v51;
	v51 =	vld [tilespmem:$0x1030];
	s25 =	spop (v2sf);
	(v2sf) =	vpush v15, $0xF  }
0xdc: {  	s26 =	spop (v2sf);
	(v2sf) =	vpush v16, $0xF  }
0xdd: {  	v52 =	vimm.s32 $0x0;
	vm0 =	veq.s32 v33, $0x7;
	s28 =	spop (v2sf);
	(v2sf) =	vpush v17, $0xF  }
0xde: {  	v14 =	vsel vm0, $0xFFFFFFFF, v52;
	v53 =	vsel vm0, $0x1, v1;
	s20 =	spop (v2sf);
	(v2sf) =	vpush v11, $0xF  }
0xdf: {  	vm7 =	vnez.u8 v48;
	v9 =	vadd.s32 v9, v61;
	s30 =	spop (v2sf);
	(v2sf) =	vpush v10, $0xF  }
0xe0: {  	v20, _, _ =	vpop (xrf0);
	vm4 =	vnez.u8 v30;
	vm0 =	veq.s32 v51, $0x1;
	s31 =	spop (v2sf);
	(v2sf) =	vpush v22, $0xF;
	s22 =	sadd.s32 s30, s22  }
0xe1: {  	v21, _, _ =	vpop (xrf0);
	vm3 =	veq.s32 v51, $0x2;
	s0 =	spop (v2sf);
	(v2sf) =	vpush v20, $0xF;
	v58 =	vmov s22  }
0xe2: {  	v18, _, _ =	vpop (xrf0);
	vm1 =	veq.s32 v51, $0x3;
	s21 =	sadd.s32 s31, s21;
	s1 =	spop (v2sf);
	(v2sf) =	vpush v21, $0xF;
	v31 =	vadd.s32 $0xFFFFFFFF, v58  }
0xe3: {  	(xrf0) =	vadd.scan.msk.s32 $0xffff, v53;
	v19, _, _ =	vpop (xrf0);
	s0 =	sadd.s32 s0, s23;
	v52 =	vmov s21;
	s5 =	spop (v2sf);
	(v2sf) =	vpush v18, $0xF;
	v31 =	vbroadcast v31, $0x0  }
0xe4: {  	s1 =	sadd.s32 s1, s24;
	v53 =	vmov s0;
	v25 =	vadd.s32 $0xFFFFFFFF, v52;
	s6 =	spop (v2sf);
	(v2sf) =	vpush v19, $0xF  }
0xe5: {  	[tilespmem:$0x1FE00] =	vst v14;
	v14, _, _ =	vpop (xrf0);
	s5 =	sadd.s32 s5, s25;
	v54 =	vmov s1;
	v25 =	vbroadcast v25, $0x0;
	v26 =	vadd.s32 $0xFFFFFFFF, v53  }
0xe6: {  	v8, _, _ =	vpop (xrf0);
	s2 =	spop (v2sf);
	(v2sf) =	vpush v14, $0xF;
	v62 =	vadd.s32 v29, v31;
	v55 =	vmov s5  }
0xe7: {  	v52 =	vld [tilespmem:$0x1FDB0];
	s6 =	sadd.s32 s6, s26;
	v58 =	vbroadcast v26, $0x0;
	v59 =	vadd.s32 $0xFFFFFFFF, v54;
	s29 =	spop (v2sf);
	(v2sf) =	vpush v8, $0xF  }
0xe8: {  	v63 =	vnsel vm5, $0x0, v62;
	v34 =	vmov s6;
	v12 =	vadd.s32 v12, v25  }
0xe9: {  	v7, _, _ =	vpop (xrf0);
	s2 =	sadd.s32 s2, s28;
	v60 =	vbroadcast v59, $0x0;
	v62 =	vadd.s32 $0xFFFFFFFF, v55;
	v25 =	vsel vm3, $0x1, v1  }
0xea: {  	s14 =	spop (v2sf);
	(v2sf) =	vpush v7, $0xF;
	v38 =	vmov s2;
	v12 =	vsel vm7, v12, v63  }
0xeb: {  	v13 =	vadd.s32 v13, v58;
	v63 =	vld [tilespmem:$0x1FD80];
	v26 =	vbroadcast v62, $0x0;
	v28 =	vadd.s32 $0xFFFFFFFF, v34  }
0xec: {  	v34 =	vld [tilespmem:$0x1FDA0];
	s15 =	spop (v2sf);
	s14 =	sadd.s32 s14, s22;
	v24 =	vadd.s32 v15, v60;
	v49 =	vadd.s32 $0xFFFFFFFF, v38;
	vm6 =	vnez.u8 v52  }
0xed: {  	s17 =	spop (v2sf);
	s15 =	sadd.s32 s15, s21;
	v56 =	vmov s14;
	s21 =	sadd.s32 s29, s20;
	v15 =	vadd.s32 v16, v26;
	v16 =	vbroadcast v49, $0x0  }
0xee: {  	s0 =	sadd.s32 s17, s0;
	v57 =	vmov s15;
	v42 =	vmov s21;
	v29 =	vadd.s32 $0xFFFFFFFF, v56  }
0xef: {  	s30 =	spop (v2sf);
	v32 =	vmov s0;
	v48 =	vbroadcast v29, $0x0;
	v50 =	vadd.s32 $0xFFFFFFFF, v57  }
0xf0: {  	s18 =	spop (v2sf);
	s1 =	sadd.s32 s30, s1;
	v11 =	vadd.s32 v11, v16;
	v58 =	vadd.s32 $0xFFFFFFFF, v42;
	v29 =	vsel vm1, $0x1, v1  }
0xf1: {  	s5 =	sadd.s32 s18, s5;
	v35 =	vmov s1;
	vm8 =	vnez.u8 v63;
	vm5 =	vnez.u8 v34  }
0xf2: {  	v56 =	vld [tilespmem:$0x1FDC0];
	s23 =	spop (v2sf);
	v54 =	vadd.s32 $0xFFFFFFFF, v32;
	v63 =	vsel vm0, $0x1, v1;
	v40 =	vmov s5  }
0xf3: {  	s6 =	sadd.s32 s23, s6;
	v12 =	vsel vm8, v13, v12;
	v13 =	vbroadcast v28, $0x0;
	v59 =	vadd.s32 $0xFFFFFFFF, v35  }
0xf4: {  	s25 =	spop (v2sf);
	vm8 =	veq.s32 v51, $0x0;
	v41 =	vmov s6;
	v12 =	vsel vm10, v24, v12  }
0xf5: {  	s2 =	sadd.s32 s25, s2;
	v16 =	vbroadcast v59, $0x0;
	v60 =	vadd.s32 $0xFFFFFFFF, v40;
	v61 =	vsel vm8, $0x1, v1  }
0xf6: {  	s26 =	spop (v2sf);
	v43 =	vmov s2;
	v12 =	vsel vm5, v15, v12;
	v13 =	vadd.s32 v17, v13  }
0xf7: {  	v32 =	vld [tilespmem:$0x1FDE0];
	s24 =	sadd.s32 s26, s21;
	v15 =	vadd.s32 v22, v48;
	v17 =	vbroadcast v50, $0x0;
	vm7 =	vnez.u8 v56  }
0xf8: {  	v22 =	vadd.s32 $0xFFFFFFFF, v41;
	v46 =	vmov s24;
	v12 =	vsel vm6, v13, v12  }
0xf9: {  	s28 =	spop (v2sf);
	v53 =	vnsel vm14, $0x0, v15;
	v15 =	vbroadcast v54, $0x0;
	v13 =	vbroadcast v58, $0x0  }
0xfa: {  	s14 =	sadd.s32 s28, s14;
	v62 =	vadd.s32 v18, v16;
	v30 =	vadd.s32 $0xFFFFFFFF, v43;
	vm6 =	veq.s32 v51, $0x4  }
0xfb: {  	s30 =	spop (v2sf);
	v33 =	vmov s14;
	v55 =	vadd.s32 v20, v17;
	v11 =	vsel vm7, v11, v12  }
0xfc: {  	s15 =	sadd.s32 s30, s15;
	v17 =	vbroadcast v60, $0x0;
	vm10 =	vnez.u8 v32;
	v52 =	vadd.s32 $0xFFFFFFFF, v46  }
0xfd: {  	s31 =	spop (v2sf);
	v36 =	vmov s15;
	v57 =	vsel vm9, v55, v53;
	v15 =	vadd.s32 v21, v15  }
0xfe: {  	(xrf0) =	vadd.scan.msk.s32 $0xffff, v61;
	s0 =	sadd.s32 s31, s0;
	v10 =	vadd.s32 v10, v13;
	v24 =	vadd.s32 $0xFFFFFFFF, v33;
	v33 =	vbroadcast v30, $0x0  }
0xff: {  	s17 =	spop (v2sf);
	v37 =	vmov s0;
	v12 =	vsel vm11, v15, v57;
	v19 =	vadd.s32 v19, v17  }
0x100: {  	(xrf0) =	vadd.scan.msk.s32 $0xffff, v63;
	v20 =	vld [tilespmem:$0x1FDD0];
	s1 =	sadd.s32 s17, s1;
	v13 =	vbroadcast v24, $0x0;
	v28 =	vadd.s32 $0xFFFFFFFF, v36;
	v36 =	vsel vm6, $0x1, v1  }
0x101: {  	s18 =	spop (v2sf);
	vm11 =	veq.s32 v51, $0x5;
	v39 =	vmov s1;
	v12 =	vsel vm12, v62, v12  }
0x102: {  	s0 =	sadd.s32 s18, s5;
	v31 =	vbroadcast v28, $0x0;
	v35 =	vadd.s32 $0xFFFFFFFF, v37;
	v38 =	vsel vm11, $0x1, v1  }
0x103: {  	s22 =	spop (v2sf);
	v8 =	vadd.s32 v8, v33;
	v44 =	vmov s0;
	v21 =	vsel vm13, v19, v12  }
0x104: {  	(xrf0) =	vadd.scan.msk.s32 $0xffff, v25;
	s1 =	sadd.s32 s22, s6;
	s23 =	spop (v2sf);
	v12 =	vbroadcast v22, $0x0;
	v26, _, _ =	vpop (xrf0);
	v15 =	vbroadcast v35, $0x0;
	v37 =	vadd.s32 $0xFFFFFFFF, v39  }
0x105: {  	(xrf0) =	vadd.scan.msk.s32 $0xffff, v29;
	s2 =	sadd.s32 s23, s2;
	v45 =	vmov s1;
	vm9 =	vnez.u8 v20;
	v13 =	vadd.s32 v26, v13  }
0x106: {  	v49 =	vld [tilespmem:$0x1FDF0];
	v34, _, _ =	vpop (xrf0);
	v17 =	vbroadcast v37, $0x0;
	v47 =	vmov s2;
	v10 =	vsel vm9, v10, v11  }
0x107: {  	s25 =	spop (v2sf);
	(xrf0) =	vadd.scan.msk.s32 $0xffff, v36;
	v12 =	vadd.s32 v14, v12;
	v13 =	vnsel vm8, $0x0, v13;
	v14 =	vadd.s32 v34, v31  }
0x108: {  	s0 =	sadd.s32 s25, s24;
	vm8 =	veq.s32 v51, $0x6;
	(xrf0) =	vadd.scan.msk.s32 $0xffff, v38;
	vm9 =	veq.s32 v51, $0x7;
	v51 =	vadd.s32 $0xFFFFFFFF, v44  }
0x109: {  	v53 =	vadd.s32 $0xFFFFFFFF, v45;
	v27 =	vmov s0;
	v40 =	vsel vm8, $0x1, v1  }
0x10a: {  	v39, _, _ =	vpop (xrf0);
	v11 =	vsel vm10, v12, v21;
	v13 =	vsel vm0, v14, v13;
	v43 =	vsel vm9, $0x1, v1;
	(xrf0) =	vadd.scan.msk.s32 $0xffff, v40  }
0x10b: {  	v41 =	vadd.s32 v39, v15;
	vm10 =	vnez.u8 v49;
	v12 =	vbroadcast v51, $0x0;
	v42, _, _ =	vpop (xrf0);
	(xrf0) =	vadd.scan.msk.s32 $0xffff, v43  }
0x10c: {  	v62 =	vld [tilespmem:$0x1FE00];
	v14 =	vbroadcast v53, $0x0;
	v55 =	vadd.s32 $0xFFFFFFFF, v47;
	v13 =	vsel vm3, v41, v13  }
0x10d: {  	v8 =	vsel vm10, v8, v11;
	v57 =	vbroadcast v55, $0x0;
	v48 =	vadd.s32 v42, v17;
	v54, _, _ =	vpop (xrf0)  }
0x10e: {  	v58 =	vadd.s32 $0xFFFFFFFF, v27;
	v50 =	vsel vm1, v48, v13;
	v56, _, _ =	vpop (xrf0);
	v12 =	vadd.s32 v54, v12  }
0x10f: {  	v13 =	vbroadcast v52, $0x0;
	v11 =	vsel vm6, v12, v50;
	v14 =	vadd.s32 v56, v14  }
0x110: {  	v9 =	vsel vm4, v9, v23;
	v16 =	vbroadcast v58, $0x0;
	v59, _, _ =	vpop (xrf0);
	v11 =	vsel vm11, v14, v11  }
0x111: {  	[tilespmem:$0x1080] =	vst v9;
	v7 =	vadd.s32 v7, v13;
	vm11 =	vnez.u8 v62;
	v60 =	vadd.s32 v59, v57;
	v61, _, _ =	vpop (xrf0)  }
0x112: {  	[tilespmem:$0x1090] =	vst v10;
	v7 =	vsel vm11, v7, v8;
	v8 =	vsel vm8, v60, v11;
	v63 =	vadd.s32 v61, v16  }
0x113: {  	[tilespmem:$0x10A0] =	vst v7;
	v8 =	vsel vm9, v63, v8  }
0x114: {  	s26 =	simm.s32 $0x1080;
	[tilespmem:$0x10B0] =	vst v8  }
0x115: {  	[hbm4b:s8+s3] =	stream.linear.scatter [tilespmem:s26], [sflag:$0x2], $0x40, $0x38;
	[tilespmem:$0xD200] =	vst v63  }
0x116: {  	_ =	swait.ge [sflag:s13], $0x40  }
0x117: {  	[sflag:s13] =	ssyncset.done $0x0  }
0x118: {  	[sflag:s13] =	ssyncadd.s32 $0xFFFFFFC0  }
0x119: {  	[tilespmem:s16], [sflag:$0x2] =	stream.linear.gather [hbm4b:s9+s3], $0xC000, $0x38;
	[tilespmem:$0xD200] =	vst v63  }
0x11a: {  	_ =	swait.ge [sflag:s13], $0xC000  }
0x11b: {  	[sflag:s13] =	ssyncset.done $0x0  }
0x11c: {  	[sflag:s13] =	ssyncadd.s32 $0xFFFF4000  }
0x11d: {  	v7 =	vld [tilespmem:$0x1080];
	_ =	sdelay $0x4  }
0x11e: {  	v8 =	vshrl.u32 v7, $0x3  }
0x11f: {  	v8 =	vmul.u32 $0x30, v8  }
0x120: {  	v7 =	vand.u32 $0x7, v7  }
0x121: {  	v7 =	vor.u32 v7, v8  }
0x122: {  	v8 =	vperm.xlane v7, v2;
	_ =	sdelay $0x1  }
0x123: {  	v8 =	vadd.s32 v3, v8;
	_ =	sdelay $0x3  }
0x124: {  	v7 =	vperm.xlane v7, v4  }
0x125: {  	[hbm4b:s4+s3] =	stream.indirect_vreg.scatter [tilespmem:s16], [sflag:$0x1], $0x80, v8, vm15, $0xb8;
	[tilespmem:$0xD200] =	vst v63  }
0x126: {  	s28 =	simm.s32 $0x1900;
	v7 =	vadd.s32 v3, v7  }
0x127: {  	[hbm4b:s10+s3] =	stream.indirect_vreg.scatter [tilespmem:s28], [sflag:$0x1], $0x80, v8, vm15, $0xb8;
	[tilespmem:$0xD200] =	vst v63  }
0x128: {  	s29 =	simm.s32 $0x2100  }
0x129: {  	[hbm4b:s11+s3] =	stream.indirect_vreg.scatter [tilespmem:s29], [sflag:$0x1], $0x80, v8, vm15, $0xb8;
	[tilespmem:$0xD200] =	vst v63  }
0x12a: {  	s30 =	simm.s32 $0x2900  }
0x12b: {  	[hbm4b:s4+s3] =	stream.indirect_vreg.scatter [tilespmem:s30], [sflag:$0x1], $0x80, v7, vm15, $0xb8;
	[tilespmem:$0xD200] =	vst v63  }
0x12c: {  	s31 =	simm.s32 $0x3100  }
0x12d: {  	[hbm4b:s10+s3] =	stream.indirect_vreg.scatter [tilespmem:s31], [sflag:$0x1], $0x80, v7, vm15, $0xb8;
	[tilespmem:$0xD200] =	vst v63  }
0x12e: {  	s1 =	simm.s32 $0x3900  }
0x12f: {  	[hbm4b:s11+s3] =	stream.indirect_vreg.scatter [tilespmem:s1], [sflag:$0x1], $0x80, v7, vm15, $0xb8;
	[tilespmem:$0xD200] =	vst v63  }
0x130: {  	v7 =	vld [tilespmem:$0x1090];
	_ =	sdelay $0x4  }
0x131: {  	v8 =	vshrl.u32 v7, $0x3  }
0x132: {  	v8 =	vmul.u32 $0x30, v8  }
0x133: {  	v7 =	vand.u32 $0x7, v7  }
0x134: {  	v7 =	vor.u32 v7, v8  }
0x135: {  	v8 =	vperm.xlane v7, v2;
	_ =	sdelay $0x1  }
0x136: {  	v8 =	vadd.s32 v3, v8;
	_ =	sdelay $0x3  }
0x137: {  	s2 =	simm.s32 $0x4100;
	v7 =	vperm.xlane v7, v4  }
0x138: {  	[hbm4b:s4+s3] =	stream.indirect_vreg.scatter [tilespmem:s2], [sflag:$0x1], $0x80, v8, vm15, $0xb8;
	[tilespmem:$0xD200] =	vst v63  }
0x139: {  	s5 =	simm.s32 $0x4900;
	v7 =	vadd.s32 v3, v7  }
0x13a: {  	[hbm4b:s10+s3] =	stream.indirect_vreg.scatter [tilespmem:s5], [sflag:$0x1], $0x80, v8, vm15, $0xb8;
	[tilespmem:$0xD200] =	vst v63  }
0x13b: {  	s6 =	simm.s32 $0x5100  }
0x13c: {  	[hbm4b:s11+s3] =	stream.indirect_vreg.scatter [tilespmem:s6], [sflag:$0x1], $0x80, v8, vm15, $0xb8;
	[tilespmem:$0xD200] =	vst v63  }
0x13d: {  	s14 =	simm.s32 $0x5900  }
0x13e: {  	[hbm4b:s4+s3] =	stream.indirect_vreg.scatter [tilespmem:s14], [sflag:$0x1], $0x80, v7, vm15, $0xb8;
	[tilespmem:$0xD200] =	vst v63  }
0x13f: {  	s15 =	simm.s32 $0x6100  }
0x140: {  	[hbm4b:s10+s3] =	stream.indirect_vreg.scatter [tilespmem:s15], [sflag:$0x1], $0x80, v7, vm15, $0xb8;
	[tilespmem:$0xD200] =	vst v63  }
0x141: {  	s17 =	simm.s32 $0x6900  }
0x142: {  	[hbm4b:s11+s3] =	stream.indirect_vreg.scatter [tilespmem:s17], [sflag:$0x1], $0x80, v7, vm15, $0xb8;
	[tilespmem:$0xD200] =	vst v63  }
0x143: {  	v7 =	vld [tilespmem:$0x10A0];
	_ =	sdelay $0x4  }
0x144: {  	v8 =	vshrl.u32 v7, $0x3  }
0x145: {  	v8 =	vmul.u32 $0x30, v8  }
0x146: {  	v7 =	vand.u32 $0x7, v7  }
0x147: {  	v7 =	vor.u32 v7, v8  }
0x148: {  	v8 =	vperm.xlane v7, v2;
	_ =	sdelay $0x1  }
0x149: {  	v8 =	vadd.s32 v3, v8;
	_ =	sdelay $0x3  }
0x14a: {  	s18 =	simm.s32 $0x7100;
	v7 =	vperm.xlane v7, v4  }
0x14b: {  	[hbm4b:s4+s3] =	stream.indirect_vreg.scatter [tilespmem:s18], [sflag:$0x1], $0x80, v8, vm15, $0xb8;
	[tilespmem:$0xD200] =	vst v63  }
0x14c: {  	s20 =	simm.s32 $0x7900;
	v7 =	vadd.s32 v3, v7  }
0x14d: {  	[hbm4b:s10+s3] =	stream.indirect_vreg.scatter [tilespmem:s20], [sflag:$0x1], $0x80, v8, vm15, $0xb8;
	[tilespmem:$0xD200] =	vst v63  }
0x14e: {  	s21 =	simm.s32 $0x8100  }
0x14f: {  	[hbm4b:s11+s3] =	stream.indirect_vreg.scatter [tilespmem:s21], [sflag:$0x1], $0x80, v8, vm15, $0xb8;
	[tilespmem:$0xD200] =	vst v63  }
0x150: {  	s22 =	simm.s32 $0x8900  }
0x151: {  	[hbm4b:s4+s3] =	stream.indirect_vreg.scatter [tilespmem:s22], [sflag:$0x1], $0x80, v7, vm15, $0xb8;
	[tilespmem:$0xD200] =	vst v63  }
0x152: {  	s23 =	simm.s32 $0x9100  }
0x153: {  	[hbm4b:s10+s3] =	stream.indirect_vreg.scatter [tilespmem:s23], [sflag:$0x1], $0x80, v7, vm15, $0xb8;
	[tilespmem:$0xD200] =	vst v63  }
0x154: {  	s24 =	simm.s32 $0x9900  }
0x155: {  	[hbm4b:s11+s3] =	stream.indirect_vreg.scatter [tilespmem:s24], [sflag:$0x1], $0x80, v7, vm15, $0xb8;
	[tilespmem:$0xD200] =	vst v63  }
0x156: {  	v7 =	vld [tilespmem:$0x10B0];
	_ =	sdelay $0x4  }
0x157: {  	v8 =	vshrl.u32 v7, $0x3  }
0x158: {  	v8 =	vmul.u32 $0x30, v8  }
0x159: {  	v7 =	vand.u32 $0x7, v7  }
0x15a: {  	v7 =	vor.u32 v7, v8  }
0x15b: {  	v8 =	vperm.xlane v7, v2;
	_ =	sdelay $0x1  }
0x15c: {  	v8 =	vadd.s32 v3, v8;
	_ =	sdelay $0x3  }
0x15d: {  	s25 =	simm.s32 $0xA100;
	v7 =	vperm.xlane v7, v4  }
0x15e: {  	[hbm4b:s4+s3] =	stream.indirect_vreg.scatter [tilespmem:s25], [sflag:$0x1], $0x80, v8, vm15, $0xb8;
	[tilespmem:$0xD200] =	vst v63  }
0x15f: {  	s26 =	simm.s32 $0xA900;
	v7 =	vadd.s32 v3, v7  }
0x160: {  	[hbm4b:s10+s3] =	stream.indirect_vreg.scatter [tilespmem:s26], [sflag:$0x1], $0x80, v8, vm15, $0xb8;
	[tilespmem:$0xD200] =	vst v63  }
0x161: {  	s28 =	simm.s32 $0xB100  }
0x162: {  	[hbm4b:s11+s3] =	stream.indirect_vreg.scatter [tilespmem:s28], [sflag:$0x1], $0x80, v8, vm15, $0xb8;
	[tilespmem:$0xD200] =	vst v63  }
0x163: {  	s29 =	simm.s32 $0xB900  }
0x164: {  	[hbm4b:s4+s3] =	stream.indirect_vreg.scatter [tilespmem:s29], [sflag:$0x1], $0x80, v7, vm15, $0xb8;
	[tilespmem:$0xD200] =	vst v63  }
0x165: {  	s30 =	simm.s32 $0xC100  }
0x166: {  	[hbm4b:s10+s3] =	stream.indirect_vreg.scatter [tilespmem:s30], [sflag:$0x1], $0x80, v7, vm15, $0xb8;
	[tilespmem:$0xD200] =	vst v63  }
.Ltmp2:
0x167: {  	s31 =	simm.s32 $0xC900;
	(pc) =	sbr.rel @p0 .LBB2_3-.Ltmp2, $4  }
0x168: {  	[hbm4b:s11+s3] =	stream.indirect_vreg.scatter [tilespmem:s31], [sflag:$0x1], $0x80, v7, vm15, $0xb8;
	[tilespmem:$0xD200] =	vst v63  }
0x169: {  	_ =	swait.ge [sflag:s19], $0xC000  }
0x16a: {  	[sflag:s19] =	ssyncset.done $0x0  }
0x16b: {  	[sflag:s19] =	ssyncadd.s32 $0xFFFF4000  }
0x16c: {  	vm0 =	vgt.s32 v6, $0x0;
	v6 =	vor.u32 $0x80000000, v0  }
0x16d: {  	v6 =	vnsel vm0, $0x80000000, v6  }
0x16e: {  	(xrf0) =	vmax.scan.msk.u32 $0xffff, v6;
	_ =	sdelay $0x2  }
0x16f: {  	v8 =	vbroadcast v5, $0x1;
	v11 =	vbroadcast v5, $0x2  }
0x170: {  	v12 =	vbroadcast v5, $0x3;
	v13 =	vbroadcast v5, $0x4  }
0x171: {  	v7 =	vadd.s32 $0x1, v0;
	v14 =	vbroadcast v5, $0x5;
	v54 =	vbroadcast v5, $0x6  }
0x172: {  	v63 =	vor.u32 $0x10, v0;
	v6 =	vbroadcast v5, $0x0;
	vm9 =	vlt.s32 v8, v7;
	v9, _, _ =	vpop (xrf0)  }
0x173: {  	vm10 =	vlt.s32 v11, v7;
	vm11 =	vlt.s32 v12, v7;
	(v2sf) =	vpush v9, $0xF  }
0x174: {  	vm4 =	vlt.s32 v13, v7;
	vm5 =	vlt.s32 v14, v7;
	v5 =	vbroadcast v5, $0x7  }
0x175: {  	vm6 =	vlt.s32 v54, v7;
	v51 =	vsel vm9, $0x1, v1;
	v52 =	vsel vm10, $0x1, v1  }
0x176: {  	v53 =	vsel vm11, $0x1, v1;
	v15 =	vsel vm4, $0x1, v1;
	v55 =	vsel vm5, $0x1, v1  }
0x177: {  	v16 =	vsel vm6, $0x1, v1;
	vm8 =	vlt.s32 v6, v7;
	vm7 =	vlt.s32 v5, v7  }
0x178: {  	v7 =	vadd.s32 $0x11, v0;
	v10 =	vsel vm8, $0x1, v1;
	v56 =	vsel vm7, $0x1, v1  }
0x179: {  	vm8 =	vlt.s32 v6, v7;
	vm9 =	vlt.s32 v8, v7;
	vm10 =	vlt.s32 v11, v7  }
0x17a: {  	vm11 =	vlt.s32 v12, v7;
	vm4 =	vlt.s32 v13, v7;
	vm5 =	vlt.s32 v14, v7  }
0x17b: {  	vm6 =	vlt.s32 v54, v7;
	vm7 =	vlt.s32 v5, v7;
	v57 =	vsel vm8, $0x1, v1  }
0x17c: {  	v8 =	vsel vm9, $0x1, v1;
	v58 =	vsel vm10, $0x1, v1;
	v9 =	vadd.s32 v51, v10  }
0x17d: {  	v59 =	vsel vm11, $0x1, v1;
	v60 =	vsel vm4, $0x1, v1;
	v9 =	vadd.s32 v52, v9  }
0x17e: {  	v61 =	vsel vm5, $0x1, v1;
	v8 =	vadd.s32 v8, v57;
	v9 =	vadd.s32 v53, v9  }
0x17f: {  	v62 =	vsel vm6, $0x1, v1;
	v8 =	vadd.s32 v58, v8;
	v9 =	vadd.s32 v15, v9  }
0x180: {  	v7 =	vsel vm7, $0x1, v1;
	v8 =	vadd.s32 v59, v8;
	v9 =	vadd.s32 v55, v9  }
0x181: {  	vm9 =	vgt.s32 v5, v0;
	v8 =	vadd.s32 v60, v8;
	v6 =	vadd.s32 v16, v9  }
0x182: {  	vm11 =	vgt.s32 v5, v63;
	v8 =	vadd.s32 v61, v8;
	v6 =	vadd.s32 v56, v6;
	s0 =	spop (v2sf)  }
0x183: {  	v5 =	vsel vm11, $0x1, v1;
	v8 =	vadd.s32 v62, v8;
	vm8 =	vgt.u32 v6, $0x7;
	s0 =	sxor.u32 $0x80000000, s0  }
0x184: {  	[tilespmem:$0xD190] =	vst v5;
	v7 =	vadd.s32 v7, v8;
	v6 =	vsel vm8, s0, v6  }
0x185: {  	vm10 =	vgt.u32 v7, $0x7;
	[tilespmem:$0xD100] =	vst v6;
	v6 =	vsel vm9, $0x1, v1  }
0x186: {  	[tilespmem:$0xD180] =	vst v6;
	v6 =	vsel vm10, s0, v7  }
0x187: {  	s29 =	rddreg [dreg:$0x4];
	s1 =	simm.s32 $0xD100;
	[tilespmem:$0xD110] =	vst v6  }
0x188: {  	[hbm4b:s29+s3] =	stream.linear.scatter [tilespmem:s1], [sflag:$0x2], $0x80, $0x38;
	[tilespmem:$0xD200] =	vst v63  }
0x189: {  	_ =	swait.ge [sflag:s13], $0x80  }
0x18a: {  	s31 =	simm.s32 $0xD180;
	[sflag:s13] =	ssyncset.done $0x0  }
.Ltmp3:
0x18b: {  	s30 =	rddreg [dreg:$0x5];
	[sflag:s13] =	ssyncadd.s32 $0xFFFFFF80;
	(pc) =	sbr.rel .LBB2_3-.Ltmp3, $4  }
0x18c: {  	[hbm4b:s30+s3] =	stream.linear.scatter [tilespmem:s31], [sflag:$0x2], $0x80, $0x38;
	[tilespmem:$0xD200] =	vst v63  }
0x18d: {  	_ =	swait.ge [sflag:s13], $0x80  }
0x18e: {  	[sflag:s13] =	ssyncset.done $0x0  }
0x18f: {  	[sflag:s13] =	ssyncadd.s32 $0xFFFFFF80  }
.LBB2_4:
0x190: {  	_ =	sfence.sel $0x180000  }
0x191: {  	[bflag:$0x0] =	sbarrier.arrive $0xFFFF  }
0x192: {  	_ =	strace $0x90000047  }
0x193: {  	s0 =	stileid.u32;
	[bflag:$0x2] =	sbarrier.arrive $0xFFFF  }
0x194: {  	p0 =	sne.s32 s0, $0x0;
	s0 =	rddreg [dreg:$0x3]  }
0x195: {  	s0 =	sadd.s32 @!p0 $0x100000, s0  }
0x196: {  	[sflag:s0] =	ssyncadd.tile.s32 @!p0 $0x1;
	_ =	shalt  }
.Lfunc_end2:
_tile_overlayer_lowered:
.L_overlay_start_2:
0x197: {  	(tag) =	ssettag $0x2  }
0x198: {  	s0 =	rddreg [dreg:$0x0];
	s2 =	stileid.u32  }
0x199: {  	s1 =	rddreg [dreg:$0x1];
	p0 =	sne.s32 s2, $0x0  }
0x19a: {  	s3 =	rddreg [dreg:$0x2];
	[bflag:$0x3] =	sbarrier.arrive $0xFFFF;
	s2 =	simm.s32 @!p0 $0x1C02  }
0x19b: {  	[timem:s3], [sflag:s2] =	dma.local @!p0 [hbm:s0], s1  }
0x19c: {  	s0 =	simm.s32 @!p0 $0x2  }
0x19d: {  	_ =	swait.ge @!p0 [sflag:s0], s1  }
0x19e: {  	s1 =	ssub.s32 @!p0 $0x0, s1;
	[sflag:s0] =	ssyncset.done @!p0 $0x0  }
0x19f: {  	[sflag:s0] =	ssyncadd.s32 @!p0 s1  }
0x1a0: {  	[bflag:$0x3] =	sbarrier.arrive $0xFFFF  }
0x1a1: {  	_ =	shalt  }

// kernel: kernel.9.cloned.1.call-start
scs
__scs_entry_jumppad:
0x0: {  	(pc) =	sbr.rel $0x88, $3  }
0x1: {  	(tag) =	ssettag $0x0;
	lr =	simm.s32 $0x1  }
0x2: {  	[smem:$0x3F9A] =	sst lr;
	_ =	strace $0xD0000000  }
0x3: {  	_ = 	snop  }
0x4: {  	_ = 	snop  }
0x5: {  	_ = 	snop  }
0x6: {  	_ = 	snop  }
0x7: {  	_ = 	snop  }
__scs_overlays_trampoline_lowered:
0x8: {  	[smem:$0x3FA9] =	sst s0  }
0x9: {  	[smem:$0x3FAA] =	sst s1  }
0xa: {  	[smem:$0x3FAB] =	sst s2  }
0xb: {  	[smem:$0x3FAC] =	sst s3  }
0xc: {  	[smem:$0x3FAD] =	sst s4  }
0xd: {  	[smem:$0x3FAE] =	sst s5  }
0xe: {  	[smem:$0x3FAF] =	sst s6  }
0xf: {  	[smem:$0x3FB0] =	sst s7  }
0x10: {  	[smem:$0x3FB1] =	sst s8  }
0x11: {  	[smem:$0x3FB2] =	sst s9;
	s0 =	simm.s32 @!p0 $0x0  }
0x12: {  	s1 =	sld [smem:$0x3F98];
	s0 =	simm.s32 @p0 $0x1  }
0x13: {  	[smem:$0x3FB3] =	sst s0;
	s0 =	simm.s32 @!p1 $0x0  }
0x14: {  	s2 =	sld [smem:$0x3F97];
	s0 =	simm.s32 @p1 $0x1  }
0x15: {  	[smem:$0x3FB4] =	sst s0;
	s0 =	simm.s32 @!p2 $0x0  }
0x16: {  	s3 =	sld [smem:$0x3FDB];
	s0 =	simm.s32 @p2 $0x1  }
0x17: {  	s4 =	simm.s32 $0x1BF5;
	[smem:$0x3FB6] =	sst s0  }
0x18: {  	s0 =	sld [smem:$0x3F99];
	_ =	swait.ge [sflag:s4], $0x0  }
0x19: {  	s7 =	sld [smem:$0x3F9A]  }
0x1a: {  	s8 =	sadd.s32 $0xFFFFE003, lr  }
0x1b: {  	s9 =	sadd.s32 $0xFFFFFEF7, lr;
	s5 =	simm.s32 $0xFFFFFFFF;
	p2 =	slt.u32 s8, $0xFFFFF086  }
0x1c: {  	p1 =	slt.u32 s9, $0xF7A;
	s5 =	simm.s32 @!p2 $0x0  }
0x1d: {  	s5 =	simm.s32 @p1 $0x1;
	p0 =	seq.s32 s7, s2  }
0x1e: {  	s7 =	smul.u32 @!p0 $0xF7A, s2;
	p2 =	seq.s32 @!p0 s5, $0x0  }
0x1f: {  	s9 =	smul.u32 $0xF7A, s1;
	s8 =	simm.s32 @!p0 $0x1BF5;
	p2 =	por !p2, p0  }
0x20: {  	[sflag:s8] =	ssyncset.s32 @!p0 $0xFFFFF086;
	s6 =	sadd.s32 @!p0 s3, s7;
	s7 =	simm.s32 @!p0 $0x108  }
0x21: {  	s3 =	sadd.s32 s3, s9;
	s6 =	sadd.s32 @!p0 $0x88, s6;
	s7 =	simm.s32 @p2 $0x1082  }
0x22: {  	[simem:s7], [sflag:s8] =	dma.local @!p0 [hbm:s6], $0xF7A  }
0x23: {  	s9 =	sor.u32 $0xD0000000, s2;
	s6 =	simm.s32 $0x108;
	_ =	swait.ge @!p0 [sflag:s8], $0x0  }
0x24: {  	s3 =	sadd.s32 $0x88, s3;
	s6 =	simm.s32 @!p1 $0x1082;
	[sflag:s4] =	ssyncset.s32 $0xFFFFF086  }
0x25: {  	[simem:s6], [sflag:s4] =	dma.local [hbm:s3], $0xF7A  }
0x26: {  	[smem:$0x3F9A] =	sst s1;
	(tag) =	ssettag s2;
	_ =	strace s9  }
0x27: {  	s1 =	sld [smem:$0x3FAA]  }
0x28: {  	s2 =	sld [smem:$0x3FAB]  }
0x29: {  	s4 =	sld [smem:$0x3FAD]  }
0x2a: {  	p0 =	seq.s32 s5, $0x0;
	s5 =	sld [smem:$0x3FAE]  }
0x2b: {  	s6 =	sld [smem:$0x3FAF]  }
0x2c: {  	s7 =	sld [smem:$0x3FB0]  }
0x2d: {  	s3 =	simm.s32 $0x108;
	s8 =	sld [smem:$0x3FB1]  }
0x2e: {  	s3 =	simm.s32 @!p0 $0x1082;
	s9 =	sld [smem:$0x3FB2]  }
0x2f: {  	lr =	sadd.s32 s0, s3;
	s0 =	sld [smem:$0x3FA9]  }
0x30: {  	s3 =	sld [smem:$0x3FAC]  }
0x31: {  	[smem:$0x3FB5] =	sst s10  }
0x32: {  	s10 =	sld [smem:$0x3FB3];
	_ =	sdelay $0x3  }
0x33: {  	p0 =	seq.s32 s10, $0x1;
	s10 =	sld [smem:$0x3FB5];
	_ =	sdelay $0x3  }
0x34: {  	[smem:$0x3FB5] =	sst s10  }
0x35: {  	s10 =	sld [smem:$0x3FB4];
	_ =	sdelay $0x3  }
0x36: {  	p1 =	seq.s32 s10, $0x1;
	s10 =	sld [smem:$0x3FB5];
	_ =	sdelay $0x3  }
0x37: {  	[smem:$0x3FB5] =	sst s10  }
0x38: {  	s10 =	sld [smem:$0x3FB6]  }
0x39: {  	_ = 	snop;
	(pc) =	sbr.ind lr, $3  }
0x3a: {  	_ = 	snop  }
0x3b: {  	_ = 	snop  }
0x3c: {  	p2 =	seq.s32 s10, $0x1;
	s10 =	sld [smem:$0x3FB5]  }
0x3d: {  	_ =	shalt  }
0x3e: {  	_ =	shalt  }
0x3f: {  	_ =	shalt  }
0x40: {  	_ =	shalt  }
0x41: {  	_ =	shalt  }
0x42: {  	_ =	shalt  }
0x43: {  	_ =	shalt  }
0x44: {  	_ =	shalt  }
0x45: {  	_ =	shalt  }
0x46: {  	_ =	shalt  }
0x47: {  	_ =	shalt  }
0x48: {  	_ =	shalt  }
0x49: {  	_ =	shalt  }
0x4a: {  	_ =	shalt  }
0x4b: {  	_ =	shalt  }
0x4c: {  	_ =	shalt  }
0x4d: {  	_ =	shalt  }
0x4e: {  	_ =	shalt  }
0x4f: {  	_ =	shalt  }
0x50: {  	_ =	shalt  }
0x51: {  	_ =	shalt  }
0x52: {  	_ =	shalt  }
0x53: {  	_ =	shalt  }
0x54: {  	_ =	shalt  }
0x55: {  	_ =	shalt  }
0x56: {  	_ =	shalt  }
0x57: {  	_ =	shalt  }
0x58: {  	_ =	shalt  }
0x59: {  	_ =	shalt  }
0x5a: {  	_ =	shalt  }
0x5b: {  	_ =	shalt  }
0x5c: {  	_ =	shalt  }
0x5d: {  	_ =	shalt  }
0x5e: {  	_ =	shalt  }
0x5f: {  	_ =	shalt  }
0x60: {  	_ =	shalt  }
0x61: {  	_ =	shalt  }
0x62: {  	_ =	shalt  }
0x63: {  	_ =	shalt  }
0x64: {  	_ =	shalt  }
0x65: {  	_ =	shalt  }
0x66: {  	_ =	shalt  }
0x67: {  	_ =	shalt  }
0x68: {  	_ =	shalt  }
0x69: {  	_ =	shalt  }
0x6a: {  	_ =	shalt  }
0x6b: {  	_ =	shalt  }
0x6c: {  	_ =	shalt  }
0x6d: {  	_ =	shalt  }
0x6e: {  	_ =	shalt  }
0x6f: {  	_ =	shalt  }
0x70: {  	_ =	shalt  }
0x71: {  	_ =	shalt  }
0x72: {  	_ =	shalt  }
0x73: {  	_ =	shalt  }
0x74: {  	_ =	shalt  }
0x75: {  	_ =	shalt  }
0x76: {  	_ =	shalt  }
0x77: {  	_ =	shalt  }
0x78: {  	_ =	shalt  }
0x79: {  	_ =	shalt  }
0x7a: {  	_ =	shalt  }
0x7b: {  	_ =	shalt  }
0x7c: {  	_ =	shalt  }
0x7d: {  	_ =	shalt  }
0x7e: {  	_ =	shalt  }
0x7f: {  	_ =	shalt  }
0x80: {  	_ =	shalt  }
0x81: {  	_ =	shalt  }
0x82: {  	_ =	shalt  }
0x83: {  	_ =	shalt  }
0x84: {  	_ =	shalt  }
0x85: {  	_ =	shalt  }
0x86: {  	_ =	shalt  }
0x87: {  	_ =	shalt  }
.Lfunc_end0:
.L_simem_size_0:
called_computation.1_lowered:
.L_overlay_start_0:
0x88: {  	s2 =	sld [smem:$0x3FD9]  }
0x89: {  	s3 =	sld [smem:$0x3FFE];
	_ =	sdelay $0x1  }
0x8a: {  	s1 =	srdreg.scid  }
0x8b: {  	s0 =	sand.u32 $0x1, s1  }
0x8c: {  	s17 =	sshll.u32 s0, $0xA;
	s2 =	sadd.s32 s3, s2  }
0x8d: {  	s2 =	sadd.s32 s2, s17  }
0x8e: {  	[smem:$0x3FC1] =	sst s2  }
0x8f: {  	_ = 	snop  }
0x90: {  	s2 =	sld [smem:$0x3FD0];
	(tm) =	ssettm $0x1  }
0x91: {  	s18 =	sld [smem:$0x3FFB];
	_ =	sdelay $0x3  }
0x92: {  	_ =	strace s18  }
0x93: {  	s3 =	sld [smem:$0x3FFC];
	_ =	sdelay $0x3  }
0x94: {  	_ =	strace s3  }
0x95: {  	s3 =	sld [smem:$0x3FFD];
	_ =	sdelay $0x3  }
0x96: {  	_ =	strace s3  }
0x97: {  	_ =	strace $0x8FFFFFFF  }
0x98: {  	s19 =	sld [smem:$0x3FDB];
	_ =	sdelay $0x1  }
0x99: {  	s4 =	simm.s32 $_scs_section_size  }
0x9a: {  	s5 =	simm.s32 $_size__tile_overlayer_lowered;
	s6 =	simm.s32 $_tile_overlayer_lowered  }
0x9b: {  	s22 =	simm.s32 $0x1BFF;
	s21 =	sshll.u32 s6, $0x1;
	s3 =	sadd.s32 s4, s19  }
0x9c: {  	s7 =	simm.s32 $0x0;
	s20 =	sshll.u32 s5, $0x1;
	s5 =	sadd.s32 s21, s3  }
0x9d: {  	[timem:s7], [sflag:s22] =	dma.local [hbm:s5], s20  }
0x9e: {  	_ =	swait.ge [sflag:s22], s20  }
0x9f: {  	s4 =	ssub.s32 $0x0, s20;
	[sflag:s22] =	ssyncset.done $0x0  }
0xa0: {  	[sflag:s22] =	ssyncadd.s32 s4;
	_ =	sdelay $0x1  }
0xa1: {  	s23 =	simm.s32 $0x1B8B  }
0xa2: {  	_ =	swait.ge [sflag:s23], $0x1  }
0xa3: {  	[sflag:s23] =	ssyncset.done $0x0  }
0xa4: {  	s25 =	simm.s32 $0x1B8E;
	s24 =	sld [smem:$0x3FFE];
	[sflag:s23] =	ssyncadd.s32 $0xFFFFFFFF  }
0xa5: {  	s26 =	simm.s32 $execute0_lowered;
	[smem:$0x3FD2] =	sst s25  }
0xa6: {  	s5 =	sshll.u32 s26, $0x1;
	_ =	strace $0x80000049;
	[dreg:$0x1] =	wrdreg $0xFFFFFFFF  }
0xa7: {  	s28 =	simm.s32 $_size_execute0_lowered;
	s3 =	sadd.s32 s3, s5;
	[dreg:$0x0] =	wrdreg $0x0  }
0xa8: {  	s5 =	sshll.u32 s28, $0x1;
	[dreg:$0x2] =	wrdreg s3  }
0xa9: {  	[dreg:$0x3] =	wrdreg s5  }
0xaa: {  	[dreg:$0x4] =	wrdreg $0xC0  }
0xab: {  	_ =	task [dreg:s7], $0x5FFFF  }
0xac: {  	[dreg:$0x1] =	wrdreg $0xFFFFFFFF  }
0xad: {  	[dreg:$0x0] =	wrdreg $0x60  }
0xae: {  	[dreg:$0x2] =	wrdreg s24  }
0xaf: {  	[dreg:$0x3] =	wrdreg s2  }
0xb0: {  	[dreg:$0x4] =	wrdreg $0x9  }
0xb1: {  	_ =	task.clear_ibuf [dreg:s7], $0x5FFFF;
	_ =	strace $0x90000049  }
0xb2: {  	s29 =	simm.s32 $0x9;
	_ =	strace $0x8000004B  }
0xb3: {  	_ =	swait.ge [sflag:s29], $0x1  }
0xb4: {  	[sflag:s29] =	ssyncadd.s32 $0xFFFFFFFF  }
0xb5: {  	_ =	strace $0x9000004B  }
0xb6: {  	_ =	sfence  }
0xb7: {  	s30 =	sld [smem:$0x0];
	_ =	sdelay $0x2  }
0xb8: {  	s31 =	sshll.u32 s1, $0xD;
	s1 =	sshrl.u32 s1, $0x2  }
0xb9: {  	s3 =	sand.u32 $0x4000, s31;
	s1 =	sadd.s32 s1, s30  }
0xba: {  	s0 =	sor.u32 s3, s0;
	s1 =	sshll.u32 s1, $0x11  }
0xbb: {  	s0 =	sor.u32 s1, s0  }
0xbc: {  	s0 =	sadd.s32 $0x8F2B, s0  }
0xbd: {  	[sflag:s0] =	ssyncadd.remote.s32 $0x1  }
0xbe: {  	_ =	sfence.sel $0xFFFF  }
0xbf: {  	[dreg:$0x0] =	wrdreg $0xFFFFFFFF;
	(pc) =	sbr.abs _section_cstart, $3  }
0xc0: {  	[dreg:$0x1] =	wrdreg $0xFFFFFFFF  }
0xc1: {  	_ =	task.clear_ibuf [dreg:s7], $0x2FFFF;
	_ =	strace $0x9FFFFFFF  }
0xc2: {  	(tm) =	ssettm $0x7FFFFFFF  }
0xc3: {  	_ =	shalt  }
tec
execute0_lowered:
.L_overlay_start_1:
0x0: {  	(tag) =	ssettag $0x1  }
0x1: {  	s0 =	rddreg [dreg:$0x0]  }
0x2: {  	s5 =	rddreg [dreg:$0x1];
	s3 =	srdreg.scid  }
0x3: {  	s2 =	simm.s32 $0x0;
	s1 =	stileid.u32;
	s26 =	simm.s32 $0x880  }
0x4: {  	s10 =	simm.s32 $0x1880;
	s11 =	simm.s32 $0x2080;
	s12 =	simm.s32 $0x2880  }
0x5: {  	s13 =	simm.s32 $0x3080;
	s14 =	simm.s32 $0x3880;
	s15 =	simm.s32 $0x4080  }
0x6: {  	s16 =	simm.s32 $0x4880;
	s17 =	simm.s32 $0x5080;
	s18 =	simm.s32 $0x5880  }
0x7: {  	s19 =	simm.s32 $0x6080;
	s20 =	simm.s32 $0x6880;
	s21 =	simm.s32 $0x7080  }
0x8: {  	s22 =	simm.s32 $0x7880;
	s28 =	simm.s32 $0xA080;
	s29 =	simm.s32 $0xA880  }
0x9: {  	s30 =	simm.s32 $0xB080;
	s31 =	simm.s32 $0xB880;
	s3 =	sand.u32 $0x1, s3  }
0xa: {  	[smem:$0x7FF] =	sst s2;
	s4 =	sshll.u32 s1, $0x4;
	s6 =	sshll.u32 s3, $0x3  }
0xb: {  	_ =	strace $0x8000004A;
	s23 =	ssub.s32 $0x2, s3;
	s3 =	sadd.s32 $0x2000, s0  }
0xc: {  	[dreg:$0x5] =	wrdreg s26;
	s26 =	simm.s32 $0x9880;
	s4 =	sor.u32 s6, s4  }
0xd: {  	s8 =	sshrl.u32 s23, $0x1;
	s7 =	sadd.s32 s4, s0;
	s9 =	smul.u32 $0x300, s4  }
0xe: {  	s6 =	ssub.s32 s23, s8;
	s4 =	sadd.s32 $0x2100, s0;
	s8 =	simm.s32 $0x80  }
0xf: {  	s23 =	simm.s32 $0x8080;
	s24 =	sadd.s32 $0x4A600, s7;
	s6 =	smax.u32 s6, $0x1  }
0x10: {  	v2 =	vlaneseq.u32;
	s7 =	simm.s32 $0x2;
	[dreg:$0x3] =	wrdreg s24;
	s25 =	sadd.s32 s5, s9  }
0x11: {  	vm0 =	vmmov $0xffff;
	v1 =	vshrl.u32 v2, $0x3;
	s5 =	sadd.s32 $0x2200, s0;
	s9 =	simm.s32 $0x1080;
	s24 =	simm.s32 $0x8880  }
0x12: {  	v0 =	vand.u32 $0x7, v2;
	v2 =	vor.u32 $0x8, v2;
	v1 =	vmul.u32 $0x8, v1;
	s0 =	simm.s32 $0x1;
	[dreg:$0x4] =	wrdreg s25;
	s25 =	simm.s32 $0x9080  }
.LBB2_1:
0x13: {  	s1 =	rddreg [dreg:$0x3]  }
0x14: {  	[tilespmem:s2], [sflag:$0x2] =	stream.linear.gather [hbm4b:s1+s2], $0x40, $0x38;
	[tilespmem:$0xC080] =	vst v63  }
0x15: {  	_ =	swait.ge [sflag:s7], $0x40  }
0x16: {  	[sflag:s7] =	ssyncset.done $0x0  }
0x17: {  	[sflag:s7] =	ssyncadd.s32 $0xFFFFFFC0  }
0x18: {  	v3 =	vld [tilespmem:$0x0];
	_ =	sdelay $0x4  }
0x19: {  	v4 =	vshrl.u32 v3, $0x3  }
0x1a: {  	v4 =	vmul.u32 $0x30, v4  }
0x1b: {  	v3 =	vand.u32 $0x7, v3  }
0x1c: {  	v3 =	vor.u32 v3, v4  }
0x1d: {  	v4 =	vperm.xlane v3, v0;
	_ =	sdelay $0x1  }
0x1e: {  	v4 =	vadd.s32 v1, v4;
	_ =	sdelay $0x3  }
0x1f: {  	v3 =	vperm.xlane v3, v2  }
0x20: {  	[tilespmem:s8], [sflag:$0x1] =	stream.indirect_vreg.gather [hbm4b:s3+s2], $0x80, v4, vm0, $0xb8;
	[tilespmem:$0xC080] =	vst v63  }
0x21: {  	s1 =	rddreg [dreg:$0x5];
	v3 =	vadd.s32 v1, v3  }
0x22: {  	[tilespmem:s1], [sflag:$0x1] =	stream.indirect_vreg.gather [hbm4b:s4+s2], $0x80, v4, vm0, $0xb8;
	[tilespmem:$0xC080] =	vst v63  }
0x23: {  	_ = 	snop  }
0x24: {  	[tilespmem:s9], [sflag:$0x1] =	stream.indirect_vreg.gather [hbm4b:s5+s2], $0x80, v4, vm0, $0xb8;
	[tilespmem:$0xC080] =	vst v63  }
0x25: {  	_ = 	snop  }
0x26: {  	[tilespmem:s10], [sflag:$0x1] =	stream.indirect_vreg.gather [hbm4b:s3+s2], $0x80, v3, vm0, $0xb8;
	[tilespmem:$0xC080] =	vst v63  }
0x27: {  	_ = 	snop  }
0x28: {  	[tilespmem:s11], [sflag:$0x1] =	stream.indirect_vreg.gather [hbm4b:s4+s2], $0x80, v3, vm0, $0xb8;
	[tilespmem:$0xC080] =	vst v63  }
0x29: {  	_ = 	snop  }
0x2a: {  	[tilespmem:s12], [sflag:$0x1] =	stream.indirect_vreg.gather [hbm4b:s5+s2], $0x80, v3, vm0, $0xb8;
	[tilespmem:$0xC080] =	vst v63  }
0x2b: {  	v3 =	vld [tilespmem:$0x10];
	_ =	sdelay $0x4  }
0x2c: {  	v61 =	vshrl.u32 v3, $0x3  }
0x2d: {  	v4 =	vmul.u32 $0x30, v61  }
0x2e: {  	v3 =	vand.u32 $0x7, v3  }
0x2f: {  	v3 =	vor.u32 v3, v4  }
0x30: {  	v4 =	vperm.xlane v3, v0;
	_ =	sdelay $0x1  }
0x31: {  	v4 =	vadd.s32 v1, v4;
	_ =	sdelay $0x3  }
0x32: {  	v3 =	vperm.xlane v3, v2  }
0x33: {  	[tilespmem:s13], [sflag:$0x1] =	stream.indirect_vreg.gather [hbm4b:s3+s2], $0x80, v4, vm0, $0xb8;
	[tilespmem:$0xC080] =	vst v63  }
0x34: {  	v3 =	vadd.s32 v1, v3  }
0x35: {  	[tilespmem:s14], [sflag:$0x1] =	stream.indirect_vreg.gather [hbm4b:s4+s2], $0x80, v4, vm0, $0xb8;
	[tilespmem:$0xC080] =	vst v63  }
0x36: {  	_ = 	snop  }
0x37: {  	[tilespmem:s15], [sflag:$0x1] =	stream.indirect_vreg.gather [hbm4b:s5+s2], $0x80, v4, vm0, $0xb8;
	[tilespmem:$0xC080] =	vst v63  }
0x38: {  	_ = 	snop  }
0x39: {  	[tilespmem:s16], [sflag:$0x1] =	stream.indirect_vreg.gather [hbm4b:s3+s2], $0x80, v3, vm0, $0xb8;
	[tilespmem:$0xC080] =	vst v63  }
0x3a: {  	_ = 	snop  }
0x3b: {  	[tilespmem:s17], [sflag:$0x1] =	stream.indirect_vreg.gather [hbm4b:s4+s2], $0x80, v3, vm0, $0xb8;
	[tilespmem:$0xC080] =	vst v63  }
0x3c: {  	_ = 	snop  }
0x3d: {  	[tilespmem:s18], [sflag:$0x1] =	stream.indirect_vreg.gather [hbm4b:s5+s2], $0x80, v3, vm0, $0xb8;
	[tilespmem:$0xC080] =	vst v63  }
0x3e: {  	v3 =	vld [tilespmem:$0x20];
	_ =	sdelay $0x4  }
0x3f: {  	v62 =	vshrl.u32 v3, $0x3  }
0x40: {  	v4 =	vmul.u32 $0x30, v62  }
0x41: {  	v3 =	vand.u32 $0x7, v3  }
0x42: {  	v3 =	vor.u32 v3, v4  }
0x43: {  	v4 =	vperm.xlane v3, v0;
	_ =	sdelay $0x1  }
0x44: {  	v4 =	vadd.s32 v1, v4;
	_ =	sdelay $0x3  }
0x45: {  	v3 =	vperm.xlane v3, v2  }
0x46: {  	[tilespmem:s19], [sflag:$0x1] =	stream.indirect_vreg.gather [hbm4b:s3+s2], $0x80, v4, vm0, $0xb8;
	[tilespmem:$0xC080] =	vst v63  }
0x47: {  	v3 =	vadd.s32 v1, v3  }
0x48: {  	[tilespmem:s20], [sflag:$0x1] =	stream.indirect_vreg.gather [hbm4b:s4+s2], $0x80, v4, vm0, $0xb8;
	[tilespmem:$0xC080] =	vst v63  }
0x49: {  	_ = 	snop  }
0x4a: {  	[tilespmem:s21], [sflag:$0x1] =	stream.indirect_vreg.gather [hbm4b:s5+s2], $0x80, v4, vm0, $0xb8;
	[tilespmem:$0xC080] =	vst v63  }
0x4b: {  	_ = 	snop  }
0x4c: {  	[tilespmem:s22], [sflag:$0x1] =	stream.indirect_vreg.gather [hbm4b:s3+s2], $0x80, v3, vm0, $0xb8;
	[tilespmem:$0xC080] =	vst v63  }
0x4d: {  	_ = 	snop  }
0x4e: {  	[tilespmem:s23], [sflag:$0x1] =	stream.indirect_vreg.gather [hbm4b:s4+s2], $0x80, v3, vm0, $0xb8;
	[tilespmem:$0xC080] =	vst v63  }
0x4f: {  	_ = 	snop  }
0x50: {  	[tilespmem:s24], [sflag:$0x1] =	stream.indirect_vreg.gather [hbm4b:s5+s2], $0x80, v3, vm0, $0xb8;
	[tilespmem:$0xC080] =	vst v63  }
0x51: {  	v3 =	vld [tilespmem:$0x30];
	_ =	sdelay $0x4  }
0x52: {  	v63 =	vshrl.u32 v3, $0x3  }
0x53: {  	v4 =	vmul.u32 $0x30, v63  }
0x54: {  	v3 =	vand.u32 $0x7, v3  }
0x55: {  	v3 =	vor.u32 v3, v4  }
0x56: {  	v4 =	vperm.xlane v3, v0;
	_ =	sdelay $0x1  }
0x57: {  	v4 =	vadd.s32 v1, v4;
	_ =	sdelay $0x3  }
0x58: {  	v3 =	vperm.xlane v3, v2  }
0x59: {  	[tilespmem:s25], [sflag:$0x1] =	stream.indirect_vreg.gather [hbm4b:s3+s2], $0x80, v4, vm0, $0xb8;
	[tilespmem:$0xC080] =	vst v63  }
0x5a: {  	v3 =	vadd.s32 v1, v3  }
0x5b: {  	[tilespmem:s26], [sflag:$0x1] =	stream.indirect_vreg.gather [hbm4b:s4+s2], $0x80, v4, vm0, $0xb8;
	[tilespmem:$0xC080] =	vst v63  }
0x5c: {  	_ = 	snop  }
0x5d: {  	[tilespmem:s28], [sflag:$0x1] =	stream.indirect_vreg.gather [hbm4b:s5+s2], $0x80, v4, vm0, $0xb8;
	[tilespmem:$0xC080] =	vst v63  }
0x5e: {  	_ = 	snop  }
0x5f: {  	[tilespmem:s29], [sflag:$0x1] =	stream.indirect_vreg.gather [hbm4b:s3+s2], $0x80, v3, vm0, $0xb8;
	[tilespmem:$0xC080] =	vst v63  }
0x60: {  	_ = 	snop  }
0x61: {  	[tilespmem:s30], [sflag:$0x1] =	stream.indirect_vreg.gather [hbm4b:s4+s2], $0x80, v3, vm0, $0xb8;
	[tilespmem:$0xC080] =	vst v63  }
0x62: {  	_ = 	snop  }
0x63: {  	[tilespmem:s31], [sflag:$0x1] =	stream.indirect_vreg.gather [hbm4b:s5+s2], $0x80, v3, vm0, $0xb8;
	[tilespmem:$0xC080] =	vst v63  }
0x64: {  	_ =	swait.ge [sflag:s0], $0xC000  }
0x65: {  	p0 =	sne.s32 s6, $0x1;
	[sflag:s0] =	ssyncset.done $0x0  }
.Ltmp0:
0x66: {  	s1 =	rddreg [dreg:$0x4];
	[sflag:s0] =	ssyncadd.s32 $0xFFFF4000;
	(pc) =	sbr.rel @p0 .LBB2_1-.Ltmp0, $4  }
0x67: {  	[hbm4b:s1+s2] =	stream.linear.scatter [tilespmem:s8], [sflag:$0x2], $0xC000, $0x38;
	[tilespmem:$0xC080] =	vst v63  }
0x68: {  	_ =	swait.ge [sflag:s7], $0xC000  }
0x69: {  	[sflag:s7] =	ssyncset.done $0x0  }
0x6a: {  	s6 =	sadd.s32 $0xFFFFFFFF, s6;
	[sflag:s7] =	ssyncadd.s32 $0xFFFF4000  }
0x6b: {  	_ =	sfence.sel $0x180000  }
0x6c: {  	[bflag:$0x0] =	sbarrier.arrive $0xFFFF  }
0x6d: {  	_ =	strace $0x9000004A  }
0x6e: {  	s0 =	stileid.u32;
	[bflag:$0x2] =	sbarrier.arrive $0xFFFF  }
0x6f: {  	p0 =	sne.s32 s0, $0x0;
	s0 =	rddreg [dreg:$0x2]  }
0x70: {  	s0 =	sadd.s32 @!p0 $0x100000, s0  }
0x71: {  	[sflag:s0] =	ssyncadd.tile.s32 @!p0 $0x1;
	_ =	shalt  }
.Lfunc_end2:
_tile_overlayer_lowered:
.L_overlay_start_2:
0x72: {  	(tag) =	ssettag $0x2  }
0x73: {  	s0 =	rddreg [dreg:$0x0];
	s2 =	stileid.u32  }
0x74: {  	s1 =	rddreg [dreg:$0x1];
	p0 =	sne.s32 s2, $0x0  }
0x75: {  	s3 =	rddreg [dreg:$0x2];
	[bflag:$0x3] =	sbarrier.arrive $0xFFFF;
	s2 =	simm.s32 @!p0 $0x1C02  }
0x76: {  	[timem:s3], [sflag:s2] =	dma.local @!p0 [hbm:s0], s1  }
0x77: {  	s0 =	simm.s32 @!p0 $0x2  }
0x78: {  	_ =	swait.ge @!p0 [sflag:s0], s1  }
0x79: {  	s1 =	ssub.s32 @!p0 $0x0, s1;
	[sflag:s0] =	ssyncset.done @!p0 $0x0  }
0x7a: {  	[sflag:s0] =	ssyncadd.s32 @!p0 s1  }
0x7b: {  	[bflag:$0x3] =	sbarrier.arrive $0xFFFF  }
0x7c: {  	_ =	shalt  }

</sc_bundles>
